<compile_context>
chip_gen: v7x
topology: tpu7x:2x2x1
jax: 0.10.2.dev20260603
libtpu: 0.0.44.dev20260713+nightly
codegen_flags: <defaults>
</compile_context>

<pallas_src>
import functools
import jax
import jax.numpy as jnp
from jax import lax
from jax.experimental import pallas as pl
from jax.experimental.pallas import tpu as pltpu
from jax.experimental.pallas import tpu_sc as plsc

CLS = 1000
N0 = 4096
N1 = 26
NW = 32
PPW = N0 // NW


def _sc_body(x_hbm, out_hbm, xv, buf):
    wid = lax.axis_index("s") * 2 + lax.axis_index("c")
    base = wid * PPW

    zeros16f = jnp.zeros((16,), jnp.float32)
    iota16 = lax.iota(jnp.int32, 16)

    def zero_plane(r, _):
        def zb(i, _):
            buf[0, r, pl.ds(pl.multiple_of(i * 16, 16), 16)] = zeros16f
            return 0
        lax.fori_loop(0, 63, zb, 0)
        return 0

    lax.fori_loop(0, N1, zero_plane, 0)

    def chunk_body(k, _):
        i0 = base + k
        pltpu.sync_copy(x_hbm.at[pl.ds(i0 * 32, 32)], xv)
        xva = xv[pl.ds(0, 16)]
        xvb = xv[pl.ds(16, 16)]

        for r in range(N1):
            xs = xva[r] if r < 16 else xvb[r - 16]
            start = pl.multiple_of((xs >> 4) << 4, 16)
            w = buf[0, r, pl.ds(start, 16)]
            buf[0, r, pl.ds(start, 16)] = jnp.where(
                iota16 + start == xs, 1.0, w)

        pltpu.sync_copy(buf, out_hbm.at[pl.ds(i0, 1)])

        for r in range(N1):
            xs = xva[r] if r < 16 else xvb[r - 16]
            start = pl.multiple_of((xs >> 4) << 4, 16)
            buf[0, r, pl.ds(start, 16)] = zeros16f
        return 0

    lax.fori_loop(0, PPW, chunk_body, 0)


def kernel(x):
    xpad = jnp.pad(x, ((0, 0), (0, 6)))
    mesh = plsc.VectorSubcoreMesh(core_axis_name="c", subcore_axis_name="s")
    f = pl.kernel(
        _sc_body,
        out_type=jax.ShapeDtypeStruct((N0, N1, CLS), jnp.float32),
        mesh=mesh,
        scratch_types=[
            pltpu.VMEM((32,), jnp.int32),
            pltpu.VMEM((1, N1, CLS), jnp.float32),
        ],
    )
    return f(xpad.reshape(N0 * 32))

# --- scband reference (transcript-rebuilt; emitter-appended) ---
"""Pipeline reference for scband-onehot-79757542687186 (READ-ONLY COPY).

The authoritative reference and input builder live on the scoring server;
editing this copy changes nothing except your own understanding.
"""

import jax, jax.numpy as jnp
import numpy as np

CLASSES = 1000

def setup_inputs(seed: int = 0) -> dict:
    key = jax.random.key(seed)
    x = jax.random.randint(key, (4096, 26), 0, CLASSES, dtype=jnp.int64 if jax.config.jax_enable_x64 else jnp.int32).astype(jnp.int32)
    return {"x": x}

def reference(x) -> jnp.ndarray:
    # Faithful translation of tf.one_hot(tf.cast(x, tf.int32), classes)
    # Output shape: x.shape + (classes,), dtype float32
    return jax.nn.one_hot(x.astype(jnp.int32), CLASSES, dtype=jnp.float32)

if __name__ == "__main__":
    import jax
    _d = setup_inputs()
    print(jax.jit(kernel)(*tuple(_d.values())))

</pallas_src>

<mosaic_0001>
#map = affine_map<(d0, d1) -> (0)>
#map1 = affine_map<(d0, d1) -> (0, 0, 0)>
module attributes {stable_mosaic.version = 14 : i64} {
  func.func @_sc_body(%arg0: i32, %arg1: i32, %arg2: memref<131072xi32, #tpu.memory_space<hbm>>, %arg3: memref<4096x26x1000xf32, #tpu.memory_space<hbm>>, %arg4: memref<32xi32, #tpu.memory_space<vmem>>, %arg5: memref<1x26x1000xf32, #tpu.memory_space<vmem>>) attributes {dimension_semantics = [#tpu.dimension_semantics<core_parallel>, #tpu.dimension_semantics<subcore_parallel>], iteration_bounds = array<i64: 2, 16>, scalar_prefetch = 0 : i64, scratch_operands = 2 : i64, tpu.core_type = #tpu.core_type<sc_vector_subcore>, window_params = [{transform_indices = #map}, {transform_indices = #map1}]} {
    %mul3A = arith.constant 2 : i32
    %mul3A_0 = arith.muli %arg1, %mul3A : i32
    %add3A = arith.addi %mul3A_0, %arg0 : i32
    %mul3A_1 = arith.constant 128 : i32
    %mul3A_2 = arith.muli %add3A, %mul3A_1 : i32
    %broadcast_in_dim3A = arith.constant 0.000000e+00 : f32
    %broadcast_in_dim3A_3 = vector.broadcast %broadcast_in_dim3A : f32 to vector<16xf32>
    %iota3A = tpu.iota {dimensions = array<i32: 0>} : vector<16xi32>
    %scan3A = arith.constant 0 : i32
    %scan3A_4 = arith.constant 0 : i32
    %scan3A_5 = arith.constant 26 : i32
    %scan3A_6 = arith.addi %scan3A_4, %scan3A_5 : i32
    %scan3A_7 = arith.constant 1 : i32
    %scan3A_8 = scf.for %scan3A_17 = %scan3A_4 to %scan3A_6 step %scan3A_7 iter_args(%scan3A_18 = %scan3A) -> (i32)  : i32 {
      %scan3A_19 = arith.constant 0 : i32
      %scan3A_20 = arith.constant 0 : i32
      %scan3A_21 = arith.constant 63 : i32
      %scan3A_22 = arith.addi %scan3A_20, %scan3A_21 : i32
      %scan3A_23 = arith.constant 1 : i32
      %scan3A_24 = scf.for %scan3A_27 = %scan3A_20 to %scan3A_22 step %scan3A_23 iter_args(%scan3A_28 = %scan3A_19) -> (i32)  : i32 {
        %mul3A_29 = arith.constant 16 : i32
        %mul3A_30 = arith.muli %scan3A_27, %mul3A_29 : i32
        %multiple_of3A = tpu.assume_multiple %mul3A_30, 16 : i32
        %swap3A = arith.constant 0 : i32
        %swap3A_31 = arith.index_cast %swap3A : i32 to index
        %swap3A_32 = arith.index_cast %scan3A_17 : i32 to index
        %swap3A_33 = arith.index_cast %multiple_of3A : i32 to index
        %swap3A_34 = tpu.vector_load %arg5[%swap3A_31, %swap3A_32, %swap3A_33] {strides = array<i32>} : memref<1x26x1000xf32, #tpu.memory_space<vmem>>, vector<1x1x16xf32>,
        %swap3A_35 = vector.shape_cast %swap3A_34 : vector<1x1x16xf32> to vector<16xf32>
        %swap3A_36 = vector.shape_cast %broadcast_in_dim3A_3 : vector<16xf32> to vector<1x1x16xf32>
        tpu.vector_store %arg5[%swap3A_31, %swap3A_32, %swap3A_33], %swap3A_36 {strides = array<i32>} : memref<1x26x1000xf32, #tpu.memory_space<vmem>>, vector<1x1x16xf32>,
        %scan3A_37 = arith.constant 0 : i32
        scf.yield %scan3A_37 : i32
      }
      %scan3A_25 = arith.constant 63 : i32
      %scan3A_26 = arith.constant 0 : i32
      scf.yield %scan3A_26 : i32
    }
    %scan3A_9 = arith.constant 26 : i32
    %scan3A_10 = arith.constant 0 : i32
    %scan3A_11 = arith.constant 0 : i32
    %scan3A_12 = arith.constant 128 : i32
    %scan3A_13 = arith.addi %scan3A_11, %scan3A_12 : i32
    %scan3A_14 = arith.constant 1 : i32
    %scan3A_15 = scf.for %scan3A_17 = %scan3A_11 to %scan3A_13 step %scan3A_14 iter_args(%scan3A_18 = %scan3A_10) -> (i32)  : i32 {
      %add3A_19 = arith.addi %mul3A_2, %scan3A_17 : i32
      %mul3A_20 = arith.constant 32 : i32
      %mul3A_21 = arith.muli %add3A_19, %mul3A_20 : i32
      "tpu.region"() ({
        %run_scoped3A = tpu.sem_alloc : memref<!tpu.dma_semaphore, #tpu.memory_space<semaphore_mem>>
        %dma_start3A = tpu.memref_slice %arg2[%mul3A_21] : memref<131072xi32, #tpu.memory_space<hbm>> -> memref<32xi32, #tpu.memory_space<hbm>>
        %dma_start3A_1163 = tpu.memref_slice %arg2[%mul3A_21] : memref<131072xi32, #tpu.memory_space<hbm>> -> memref<32xi32, #tpu.memory_space<hbm>>
        tpu.enqueue_dma source(%dma_start3A_1163 : memref<32xi32, #tpu.memory_space<hbm>>) target(%arg4 : memref<32xi32, #tpu.memory_space<vmem>>) target_semaphore(%run_scoped3A : memref<!tpu.dma_semaphore, #tpu.memory_space<semaphore_mem>>)
        %dma_wait3A = tpu.memref_slice %arg2[%mul3A_21] : memref<131072xi32, #tpu.memory_space<hbm>> -> memref<32xi32, #tpu.memory_space<hbm>>
        %dma_wait3A_1164 = tpu.memref_slice %arg2[%mul3A_21] : memref<131072xi32, #tpu.memory_space<hbm>> -> memref<32xi32, #tpu.memory_space<hbm>>
        tpu.wait_dma2 semaphore(%run_scoped3A : memref<!tpu.dma_semaphore, #tpu.memory_space<semaphore_mem>>) src(%dma_wait3A_1164 : memref<32xi32, #tpu.memory_space<hbm>>) dst(%arg4 : memref<32xi32, #tpu.memory_space<vmem>>)
        tpu.yield
      }) : () -> ()
      %get3A = arith.constant 0 : index
      %get3A_22 = tpu.vector_load %arg4[%get3A] {strides = array<i32>} : memref<32xi32, #tpu.memory_space<vmem>>, vector<16xi32>,
      %get3A_23 = vector.shape_cast %get3A_22 : vector<16xi32> to vector<16xi32>
      %get3A_24 = arith.constant 16 : index
      %get3A_25 = tpu.vector_load %arg4[%get3A_24] {strides = array<i32>} : memref<32xi32, #tpu.memory_space<vmem>>, vector<16xi32>,
      %get3A_26 = vector.shape_cast %get3A_25 : vector<16xi32> to vector<16xi32>
      %slice3A = vector.extract_strided_slice %get3A_23 {offsets = [0], sizes = [1], strides = [1]} : vector<16xi32> to vector<1xi32>
      %squeeze3A = vector.extract %slice3A[0] : i32 from vector<1xi32>
      %shift_right_arithmetic3A = arith.constant 4 : i32
      %shift_right_arithmetic3A_27 = arith.shrsi %squeeze3A, %shift_right_arithmetic3A : i32
      %shift_left3A = arith.constant 4 : i32
      %shift_left3A_28 = arith.shli %shift_right_arithmetic3A_27, %shift_left3A : i32
      %multiple_of3A = tpu.assume_multiple %shift_left3A_28, 16 : i32
      %get3A_29 = arith.constant 0 : i32
      %get3A_30 = arith.constant 0 : i32
      %get3A_31 = arith.index_cast %get3A_29 : i32 to index
      %get3A_32 = arith.index_cast %get3A_30 : i32 to index
      %get3A_33 = arith.index_cast %multiple_of3A : i32 to index
      %get3A_34 = tpu.vector_load %arg5[%get3A_31, %get3A_32, %get3A_33] {strides = array<i32>} : memref<1x26x1000xf32, #tpu.memory_space<vmem>>, vector<1x1x16xf32>,
      %get3A_35 = vector.shape_cast %get3A_34 : vector<1x1x16xf32> to vector<16xf32>
      %add3A_36 = vector.broadcast %multiple_of3A : i32 to vector<16xi32>
      %add3A_37 = arith.addi %iota3A, %add3A_36 : vector<16xi32>
      %eq3A = vector.broadcast %squeeze3A : i32 to vector<16xi32>
      %eq3A_38 = arith.cmpi eq, %add3A_37, %eq3A : vector<16xi32>
      %jit3A = arith.constant 1.000000e+00 : f32
      %broadcast_in_dim3A_39 = vector.broadcast %jit3A : f32 to vector<16xf32>
      %select_n3A = arith.select %eq3A_38, %broadcast_in_dim3A_39, %get3A_35 : vector<16xi1>, vector<16xf32>
      %swap3A = arith.constant 0 : i32
      %swap3A_40 = arith.constant 0 : i32
      %swap3A_41 = arith.index_cast %swap3A : i32 to index
      %swap3A_42 = arith.index_cast %swap3A_40 : i32 to index
      %swap3A_43 = arith.index_cast %multiple_of3A : i32 to index
      %swap3A_44 = tpu.vector_load %arg5[%swap3A_41, %swap3A_42, %swap3A_43] {strides = array<i32>} : memref<1x26x1000xf32, #tpu.memory_space<vmem>>, vector<1x1x16xf32>,
      %swap3A_45 = vector.shape_cast %swap3A_44 : vector<1x1x16xf32> to vector<16xf32>
      %swap3A_46 = vector.shape_cast %select_n3A : vector<16xf32> to vector<1x1x16xf32>
      tpu.vector_store %arg5[%swap3A_41, %swap3A_42, %swap3A_43], %swap3A_46 {strides = array<i32>} : memref<1x26x1000xf32, #tpu.memory_space<vmem>>, vector<1x1x16xf32>,
      %slice3A_47 = vector.extract_strided_slice %get3A_23 {offsets = [1], sizes = [1], strides = [1]} : vector<16xi32> to vector<1xi32>
      %squeeze3A_48 = vector.extract %slice3A_47[0] : i32 from vector<1xi32>
      %shift_right_arithmetic3A_49 = arith.constant 4 : i32
      %shift_right_arithmetic3A_50 = arith.shrsi %squeeze3A_48, %shift_right_arithmetic3A_49 : i32
      %shift_left3A_51 = arith.constant 4 : i32
      %shift_left3A_52 = arith.shli %shift_right_arithmetic3A_50, %shift_left3A_51 : i32
      %multiple_of3A_53 = tpu.assume_multiple %shift_left3A_52, 16 : i32
      %get3A_54 = arith.constant 0 : i32
      %get3A_55 = arith.constant 1 : i32
      %get3A_56 = arith.index_cast %get3A_54 : i32 to index
      %get3A_57 = arith.index_cast %get3A_55 : i32 to index
      %get3A_58 = arith.index_cast %multiple_of3A_53 : i32 to index
      %get3A_59 = tpu.vector_load %arg5[%get3A_56, %get3A_57, %get3A_58] {strides = array<i32>} : memref<1x26x1000xf32, #tpu.memory_space<vmem>>, vector<1x1x16xf32>,
      %get3A_60 = vector.shape_cast %get3A_59 : vector<1x1x16xf32> to vector<16xf32>
      %add3A_61 = vector.broadcast %multiple_of3A_53 : i32 to vector<16xi32>
      %add3A_62 = arith.addi %iota3A, %add3A_61 : vector<16xi32>
      %eq3A_63 = vector.broadcast %squeeze3A_48 : i32 to vector<16xi32>
      %eq3A_64 = arith.cmpi eq, %add3A_62, %eq3A_63 : vector<16xi32>
      %jit3A_65 = arith.constant 1.000000e+00 : f32
      %broadcast_in_dim3A_66 = vector.broadcast %jit3A_65 : f32 to vector<16xf32>
      %select_n3A_67 = arith.select %eq3A_64, %broadcast_in_dim3A_66, %get3A_60 : vector<16xi1>, vector<16xf32>
      %swap3A_68 = arith.constant 0 : i32
      %swap3A_69 = arith.constant 1 : i32
      %swap3A_70 = arith.index_cast %swap3A_68 : i32 to index
      %swap3A_71 = arith.index_cast %swap3A_69 : i32 to index
      %swap3A_72 = arith.index_cast %multiple_of3A_53 : i32 to index
      %swap3A_73 = tpu.vector_load %arg5[%swap3A_70, %swap3A_71, %swap3A_72] {strides = array<i32>} : memref<1x26x1000xf32, #tpu.memory_space<vmem>>, vector<1x1x16xf32>,
      %swap3A_74 = vector.shape_cast %swap3A_73 : vector<1x1x16xf32> to vector<16xf32>
      %swap3A_75 = vector.shape_cast %select_n3A_67 : vector<16xf32> to vector<1x1x16xf32>
      tpu.vector_store %arg5[%swap3A_70, %swap3A_71, %swap3A_72], %swap3A_75 {strides = array<i32>} : memref<1x26x1000xf32, #tpu.memory_space<vmem>>, vector<1x1x16xf32>,
      %slice3A_76 = vector.extract_strided_slice %get3A_23 {offsets = [2], sizes = [1], strides = [1]} : vector<16xi32> to vector<1xi32>
      %squeeze3A_77 = vector.extract %slice3A_76[0] : i32 from vector<1xi32>
      %shift_right_arithmetic3A_78 = arith.constant 4 : i32
      %shift_right_arithmetic3A_79 = arith.shrsi %squeeze3A_77, %shift_right_arithmetic3A_78 : i32
      %shift_left3A_80 = arith.constant 4 : i32
      %shift_left3A_81 = arith.shli %shift_right_arithmetic3A_79, %shift_left3A_80 : i32
      %multiple_of3A_82 = tpu.assume_multiple %shift_left3A_81, 16 : i32
      %get3A_83 = arith.constant 0 : i32
      %get3A_84 = arith.constant 2 : i32
      %get3A_85 = arith.index_cast %get3A_83 : i32 to index
      %get3A_86 = arith.index_cast %get3A_84 : i32 to index
      %get3A_87 = arith.index_cast %multiple_of3A_82 : i32 to index
      %get3A_88 = tpu.vector_load %arg5[%get3A_85, %get3A_86, %get3A_87] {strides = array<i32>} : memref<1x26x1000xf32, #tpu.memory_space<vmem>>, vector<1x1x16xf32>,
      %get3A_89 = vector.shape_cast %get3A_88 : vector<1x1x16xf32> to vector<16xf32>
      %add3A_90 = vector.broadcast %multiple_of3A_82 : i32 to vector<16xi32>
      %add3A_91 = arith.addi %iota3A, %add3A_90 : vector<16xi32>
      %eq3A_92 = vector.broadcast %squeeze3A_77 : i32 to vector<16xi32>
      %eq3A_93 = arith.cmpi eq, %add3A_91, %eq3A_92 : vector<16xi32>
      %jit3A_94 = arith.constant 1.000000e+00 : f32
      %broadcast_in_dim3A_95 = vector.broadcast %jit3A_94 : f32 to vector<16xf32>
      %select_n3A_96 = arith.select %eq3A_93, %broadcast_in_dim3A_95, %get3A_89 : vector<16xi1>, vector<16xf32>
      %swap3A_97 = arith.constant 0 : i32
      %swap3A_98 = arith.constant 2 : i32
      %swap3A_99 = arith.index_cast %swap3A_97 : i32 to index
      %swap3A_100 = arith.index_cast %swap3A_98 : i32 to index
      %swap3A_101 = arith.index_cast %multiple_of3A_82 : i32 to index
      %swap3A_102 = tpu.vector_load %arg5[%swap3A_99, %swap3A_100, %swap3A_101] {strides = array<i32>} : memref<1x26x1000xf32, #tpu.memory_space<vmem>>, vector<1x1x16xf32>,
      %swap3A_103 = vector.shape_cast %swap3A_102 : vector<1x1x16xf32> to vector<16xf32>
      %swap3A_104 = vector.shape_cast %select_n3A_96 : vector<16xf32> to vector<1x1x16xf32>
      tpu.vector_store %arg5[%swap3A_99, %swap3A_100, %swap3A_101], %swap3A_104 {strides = array<i32>} : memref<1x26x1000xf32, #tpu.memory_space<vmem>>, vector<1x1x16xf32>,
      %slice3A_105 = vector.extract_strided_slice %get3A_23 {offsets = [3], sizes = [1], strides = [1]} : vector<16xi32> to vector<1xi32>
      %squeeze3A_106 = vector.extract %slice3A_105[0] : i32 from vector<1xi32>
      %shift_right_arithmetic3A_107 = arith.constant 4 : i32
      %shift_right_arithmetic3A_108 = arith.shrsi %squeeze3A_106, %shift_right_arithmetic3A_107 : i32
      %shift_left3A_109 = arith.constant 4 : i32
      %shift_left3A_110 = arith.shli %shift_right_arithmetic3A_108, %shift_left3A_109 : i32
      %multiple_of3A_111 = tpu.assume_multiple %shift_left3A_110, 16 : i32
      %get3A_112 = arith.constant 0 : i32
      %get3A_113 = arith.constant 3 : i32
      %get3A_114 = arith.index_cast %get3A_112 : i32 to index
      %get3A_115 = arith.index_cast %get3A_113 : i32 to index
      %get3A_116 = arith.index_cast %multiple_of3A_111 : i32 to index
      %get3A_117 = tpu.vector_load %arg5[%get3A_114, %get3A_115, %get3A_116] {strides = array<i32>} : memref<1x26x1000xf32, #tpu.memory_space<vmem>>, vector<1x1x16xf32>,
      %get3A_118 = vector.shape_cast %get3A_117 : vector<1x1x16xf32> to vector<16xf32>
      %add3A_119 = vector.broadcast %multiple_of3A_111 : i32 to vector<16xi32>
      %add3A_120 = arith.addi %iota3A, %add3A_119 : vector<16xi32>
      %eq3A_121 = vector.broadcast %squeeze3A_106 : i32 to vector<16xi32>
      %eq3A_122 = arith.cmpi eq, %add3A_120, %eq3A_121 : vector<16xi32>
      %jit3A_123 = arith.constant 1.000000e+00 : f32
      %broadcast_in_dim3A_124 = vector.broadcast %jit3A_123 : f32 to vector<16xf32>
      %select_n3A_125 = arith.select %eq3A_122, %broadcast_in_dim3A_124, %get3A_118 : vector<16xi1>, vector<16xf32>
      %swap3A_126 = arith.constant 0 : i32
      %swap3A_127 = arith.constant 3 : i32
      %swap3A_128 = arith.index_cast %swap3A_126 : i32 to index
      %swap3A_129 = arith.index_cast %swap3A_127 : i32 to index
      %swap3A_130 = arith.index_cast %multiple_of3A_111 : i32 to index
      %swap3A_131 = tpu.vector_load %arg5[%swap3A_128, %swap3A_129, %swap3A_130] {strides = array<i32>} : memref<1x26x1000xf32, #tpu.memory_space<vmem>>, vector<1x1x16xf32>,
      %swap3A_132 = vector.shape_cast %swap3A_131 : vector<1x1x16xf32> to vector<16xf32>
      %swap3A_133 = vector.shape_cast %select_n3A_125 : vector<16xf32> to vector<1x1x16xf32>
      tpu.vector_store %arg5[%swap3A_128, %swap3A_129, %swap3A_130], %swap3A_133 {strides = array<i32>} : memref<1x26x1000xf32, #tpu.memory_space<vmem>>, vector<1x1x16xf32>,
      %slice3A_134 = vector.extract_strided_slice %get3A_23 {offsets = [4], sizes = [1], strides = [1]} : vector<16xi32> to vector<1xi32>
      %squeeze3A_135 = vector.extract %slice3A_134[0] : i32 from vector<1xi32>
      %shift_right_arithmetic3A_136 = arith.constant 4 : i32
      %shift_right_arithmetic3A_137 = arith.shrsi %squeeze3A_135, %shift_right_arithmetic3A_136 : i32
      %shift_left3A_138 = arith.constant 4 : i32
      %shift_left3A_139 = arith.shli %shift_right_arithmetic3A_137, %shift_left3A_138 : i32
      %multiple_of3A_140 = tpu.assume_multiple %shift_left3A_139, 16 : i32
      %get3A_141 = arith.constant 0 : i32
      %get3A_142 = arith.constant 4 : i32
      %get3A_143 = arith.index_cast %get3A_141 : i32 to index
      %get3A_144 = arith.index_cast %get3A_142 : i32 to index
      %get3A_145 = arith.index_cast %multiple_of3A_140 : i32 to index
      %get3A_146 = tpu.vector_load %arg5[%get3A_143, %get3A_144, %get3A_145] {strides = array<i32>} : memref<1x26x1000xf32, #tpu.memory_space<vmem>>, vector<1x1x16xf32>,
      %get3A_147 = vector.shape_cast %get3A_146 : vector<1x1x16xf32> to vector<16xf32>
      %add3A_148 = vector.broadcast %multiple_of3A_140 : i32 to vector<16xi32>
      %add3A_149 = arith.addi %iota3A, %add3A_148 : vector<16xi32>
      %eq3A_150 = vector.broadcast %squeeze3A_135 : i32 to vector<16xi32>
      %eq3A_151 = arith.cmpi eq, %add3A_149, %eq3A_150 : vector<16xi32>
      %jit3A_152 = arith.constant 1.000000e+00 : f32
      %broadcast_in_dim3A_153 = vector.broadcast %jit3A_152 : f32 to vector<16xf32>
      %select_n3A_154 = arith.select %eq3A_151, %broadcast_in_dim3A_153, %get3A_147 : vector<16xi1>, vector<16xf32>
      %swap3A_155 = arith.constant 0 : i32
      %swap3A_156 = arith.constant 4 : i32
      %swap3A_157 = arith.index_cast %swap3A_155 : i32 to index
      %swap3A_158 = arith.index_cast %swap3A_156 : i32 to index
      %swap3A_159 = arith.index_cast %multiple_of3A_140 : i32 to index
      %swap3A_160 = tpu.vector_load %arg5[%swap3A_157, %swap3A_158, %swap3A_159] {strides = array<i32>} : memref<1x26x1000xf32, #tpu.memory_space<vmem>>, vector<1x1x16xf32>,
      %swap3A_161 = vector.shape_cast %swap3A_160 : vector<1x1x16xf32> to vector<16xf32>
      %swap3A_162 = vector.shape_cast %select_n3A_154 : vector<16xf32> to vector<1x1x16xf32>
      tpu.vector_store %arg5[%swap3A_157, %swap3A_158, %swap3A_159], %swap3A_162 {strides = array<i32>} : memref<1x26x1000xf32, #tpu.memory_space<vmem>>, vector<1x1x16xf32>,
      %slice3A_163 = vector.extract_strided_slice %get3A_23 {offsets = [5], sizes = [1], strides = [1]} : vector<16xi32> to vector<1xi32>
      %squeeze3A_164 = vector.extract %slice3A_163[0] : i32 from vector<1xi32>
      %shift_right_arithmetic3A_165 = arith.constant 4 : i32
      %shift_right_arithmetic3A_166 = arith.shrsi %squeeze3A_164, %shift_right_arithmetic3A_165 : i32
      %shift_left3A_167 = arith.constant 4 : i32
      %shift_left3A_168 = arith.shli %shift_right_arithmetic3A_166, %shift_left3A_167 : i32
      %multiple_of3A_169 = tpu.assume_multiple %shift_left3A_168, 16 : i32
      %get3A_170 = arith.constant 0 : i32
      %get3A_171 = arith.constant 5 : i32
      %get3A_172 = arith.index_cast %get3A_170 : i32 to index
      %get3A_173 = arith.index_cast %get3A_171 : i32 to index
      %get3A_174 = arith.index_cast %multiple_of3A_169 : i32 to index
      %get3A_175 = tpu.vector_load %arg5[%get3A_172, %get3A_173, %get3A_174] {strides = array<i32>} : memref<1x26x1000xf32, #tpu.memory_space<vmem>>, vector<1x1x16xf32>,
      %get3A_176 = vector.shape_cast %get3A_175 : vector<1x1x16xf32> to vector<16xf32>
      %add3A_177 = vector.broadcast %multiple_of3A_169 : i32 to vector<16xi32>
      %add3A_178 = arith.addi %iota3A, %add3A_177 : vector<16xi32>
      %eq3A_179 = vector.broadcast %squeeze3A_164 : i32 to vector<16xi32>
      %eq3A_180 = arith.cmpi eq, %add3A_178, %eq3A_179 : vector<16xi32>
      %jit3A_181 = arith.constant 1.000000e+00 : f32
      %broadcast_in_dim3A_182 = vector.broadcast %jit3A_181 : f32 to vector<16xf32>
      %select_n3A_183 = arith.select %eq3A_180, %broadcast_in_dim3A_182, %get3A_176 : vector<16xi1>, vector<16xf32>
      %swap3A_184 = arith.constant 0 : i32
      %swap3A_185 = arith.constant 5 : i32
      %swap3A_186 = arith.index_cast %swap3A_184 : i32 to index
      %swap3A_187 = arith.index_cast %swap3A_185 : i32 to index
      %swap3A_188 = arith.index_cast %multiple_of3A_169 : i32 to index
      %swap3A_189 = tpu.vector_load %arg5[%swap3A_186, %swap3A_187, %swap3A_188] {strides = array<i32>} : memref<1x26x1000xf32, #tpu.memory_space<vmem>>, vector<1x1x16xf32>,
      %swap3A_190 = vector.shape_cast %swap3A_189 : vector<1x1x16xf32> to vector<16xf32>
      %swap3A_191 = vector.shape_cast %select_n3A_183 : vector<16xf32> to vector<1x1x16xf32>
      tpu.vector_store %arg5[%swap3A_186, %swap3A_187, %swap3A_188], %swap3A_191 {strides = array<i32>} : memref<1x26x1000xf32, #tpu.memory_space<vmem>>, vector<1x1x16xf32>,
      %slice3A_192 = vector.extract_strided_slice %get3A_23 {offsets = [6], sizes = [1], strides = [1]} : vector<16xi32> to vector<1xi32>
      %squeeze3A_193 = vector.extract %slice3A_192[0] : i32 from vector<1xi32>
      %shift_right_arithmetic3A_194 = arith.constant 4 : i32
      %shift_right_arithmetic3A_195 = arith.shrsi %squeeze3A_193, %shift_right_arithmetic3A_194 : i32
      %shift_left3A_196 = arith.constant 4 : i32
      %shift_left3A_197 = arith.shli %shift_right_arithmetic3A_195, %shift_left3A_196 : i32
      %multiple_of3A_198 = tpu.assume_multiple %shift_left3A_197, 16 : i32
      %get3A_199 = arith.constant 0 : i32
      %get3A_200 = arith.constant 6 : i32
      %get3A_201 = arith.index_cast %get3A_199 : i32 to index
      %get3A_202 = arith.index_cast %get3A_200 : i32 to index
      %get3A_203 = arith.index_cast %multiple_of3A_198 : i32 to index
      %get3A_204 = tpu.vector_load %arg5[%get3A_201, %get3A_202, %get3A_203] {strides = array<i32>} : memref<1x26x1000xf32, #tpu.memory_space<vmem>>, vector<1x1x16xf32>,
      %get3A_205 = vector.shape_cast %get3A_204 : vector<1x1x16xf32> to vector<16xf32>
      %add3A_206 = vector.broadcast %multiple_of3A_198 : i32 to vector<16xi32>
      %add3A_207 = arith.addi %iota3A, %add3A_206 : vector<16xi32>
      %eq3A_208 = vector.broadcast %squeeze3A_193 : i32 to vector<16xi32>
      %eq3A_209 = arith.cmpi eq, %add3A_207, %eq3A_208 : vector<16xi32>
      %jit3A_210 = arith.constant 1.000000e+00 : f32
      %broadcast_in_dim3A_211 = vector.broadcast %jit3A_210 : f32 to vector<16xf32>
      %select_n3A_212 = arith.select %eq3A_209, %broadcast_in_dim3A_211, %get3A_205 : vector<16xi1>, vector<16xf32>
      %swap3A_213 = arith.constant 0 : i32
      %swap3A_214 = arith.constant 6 : i32
      %swap3A_215 = arith.index_cast %swap3A_213 : i32 to index
      %swap3A_216 = arith.index_cast %swap3A_214 : i32 to index
      %swap3A_217 = arith.index_cast %multiple_of3A_198 : i32 to index
      %swap3A_218 = tpu.vector_load %arg5[%swap3A_215, %swap3A_216, %swap3A_217] {strides = array<i32>} : memref<1x26x1000xf32, #tpu.memory_space<vmem>>, vector<1x1x16xf32>,
      %swap3A_219 = vector.shape_cast %swap3A_218 : vector<1x1x16xf32> to vector<16xf32>
      %swap3A_220 = vector.shape_cast %select_n3A_212 : vector<16xf32> to vector<1x1x16xf32>
      tpu.vector_store %arg5[%swap3A_215, %swap3A_216, %swap3A_217], %swap3A_220 {strides = array<i32>} : memref<1x26x1000xf32, #tpu.memory_space<vmem>>, vector<1x1x16xf32>,
      %slice3A_221 = vector.extract_strided_slice %get3A_23 {offsets = [7], sizes = [1], strides = [1]} : vector<16xi32> to vector<1xi32>
      %squeeze3A_222 = vector.extract %slice3A_221[0] : i32 from vector<1xi32>
      %shift_right_arithmetic3A_223 = arith.constant 4 : i32
      %shift_right_arithmetic3A_224 = arith.shrsi %squeeze3A_222, %shift_right_arithmetic3A_223 : i32
      %shift_left3A_225 = arith.constant 4 : i32
      %shift_left3A_226 = arith.shli %shift_right_arithmetic3A_224, %shift_left3A_225 : i32
      %multiple_of3A_227 = tpu.assume_multiple %shift_left3A_226, 16 : i32
      %get3A_228 = arith.constant 0 : i32
      %get3A_229 = arith.constant 7 : i32
      %get3A_230 = arith.index_cast %get3A_228 : i32 to index
      %get3A_231 = arith.index_cast %get3A_229 : i32 to index
      %get3A_232 = arith.index_cast %multiple_of3A_227 : i32 to index
      %get3A_233 = tpu.vector_load %arg5[%get3A_230, %get3A_231, %get3A_232] {strides = array<i32>} : memref<1x26x1000xf32, #tpu.memory_space<vmem>>, vector<1x1x16xf32>,
      %get3A_234 = vector.shape_cast %get3A_233 : vector<1x1x16xf32> to vector<16xf32>
      %add3A_235 = vector.broadcast %multiple_of3A_227 : i32 to vector<16xi32>
      %add3A_236 = arith.addi %iota3A, %add3A_235 : vector<16xi32>
      %eq3A_237 = vector.broadcast %squeeze3A_222 : i32 to vector<16xi32>
      %eq3A_238 = arith.cmpi eq, %add3A_236, %eq3A_237 : vector<16xi32>
      %jit3A_239 = arith.constant 1.000000e+00 : f32
      %broadcast_in_dim3A_240 = vector.broadcast %jit3A_239 : f32 to vector<16xf32>
      %select_n3A_241 = arith.select %eq3A_238, %broadcast_in_dim3A_240, %get3A_234 : vector<16xi1>, vector<16xf32>
      %swap3A_242 = arith.constant 0 : i32
      %swap3A_243 = arith.constant 7 : i32
      %swap3A_244 = arith.index_cast %swap3A_242 : i32 to index
      %swap3A_245 = arith.index_cast %swap3A_243 : i32 to index
      %swap3A_246 = arith.index_cast %multiple_of3A_227 : i32 to index
      %swap3A_247 = tpu.vector_load %arg5[%swap3A_244, %swap3A_245, %swap3A_246] {strides = array<i32>} : memref<1x26x1000xf32, #tpu.memory_space<vmem>>, vector<1x1x16xf32>,
      %swap3A_248 = vector.shape_cast %swap3A_247 : vector<1x1x16xf32> to vector<16xf32>
      %swap3A_249 = vector.shape_cast %select_n3A_241 : vector<16xf32> to vector<1x1x16xf32>
      tpu.vector_store %arg5[%swap3A_244, %swap3A_245, %swap3A_246], %swap3A_249 {strides = array<i32>} : memref<1x26x1000xf32, #tpu.memory_space<vmem>>, vector<1x1x16xf32>,
      %slice3A_250 = vector.extract_strided_slice %get3A_23 {offsets = [8], sizes = [1], strides = [1]} : vector<16xi32> to vector<1xi32>
      %squeeze3A_251 = vector.extract %slice3A_250[0] : i32 from vector<1xi32>
      %shift_right_arithmetic3A_252 = arith.constant 4 : i32
      %shift_right_arithmetic3A_253 = arith.shrsi %squeeze3A_251, %shift_right_arithmetic3A_252 : i32
      %shift_left3A_254 = arith.constant 4 : i32
      %shift_left3A_255 = arith.shli %shift_right_arithmetic3A_253, %shift_left3A_254 : i32
      %multiple_of3A_256 = tpu.assume_multiple %shift_left3A_255, 16 : i32
      %get3A_257 = arith.constant 0 : i32
      %get3A_258 = arith.constant 8 : i32
      %get3A_259 = arith.index_cast %get3A_257 : i32 to index
      %get3A_260 = arith.index_cast %get3A_258 : i32 to index
      %get3A_261 = arith.index_cast %multiple_of3A_256 : i32 to index
      %get3A_262 = tpu.vector_load %arg5[%get3A_259, %get3A_260, %get3A_261] {strides = array<i32>} : memref<1x26x1000xf32, #tpu.memory_space<vmem>>, vector<1x1x16xf32>,
      %get3A_263 = vector.shape_cast %get3A_262 : vector<1x1x16xf32> to vector<16xf32>
      %add3A_264 = vector.broadcast %multiple_of3A_256 : i32 to vector<16xi32>
      %add3A_265 = arith.addi %iota3A, %add3A_264 : vector<16xi32>
      %eq3A_266 = vector.broadcast %squeeze3A_251 : i32 to vector<16xi32>
      %eq3A_267 = arith.cmpi eq, %add3A_265, %eq3A_266 : vector<16xi32>
      %jit3A_268 = arith.constant 1.000000e+00 : f32
      %broadcast_in_dim3A_269 = vector.broadcast %jit3A_268 : f32 to vector<16xf32>
      %select_n3A_270 = arith.select %eq3A_267, %broadcast_in_dim3A_269, %get3A_263 : vector<16xi1>, vector<16xf32>
      %swap3A_271 = arith.constant 0 : i32
      %swap3A_272 = arith.constant 8 : i32
      %swap3A_273 = arith.index_cast %swap3A_271 : i32 to index
      %swap3A_274 = arith.index_cast %swap3A_272 : i32 to index
      %swap3A_275 = arith.index_cast %multiple_of3A_256 : i32 to index
      %swap3A_276 = tpu.vector_load %arg5[%swap3A_273, %swap3A_274, %swap3A_275] {strides = array<i32>} : memref<1x26x1000xf32, #tpu.memory_space<vmem>>, vector<1x1x16xf32>,
      %swap3A_277 = vector.shape_cast %swap3A_276 : vector<1x1x16xf32> to vector<16xf32>
      %swap3A_278 = vector.shape_cast %select_n3A_270 : vector<16xf32> to vector<1x1x16xf32>
      tpu.vector_store %arg5[%swap3A_273, %swap3A_274, %swap3A_275], %swap3A_278 {strides = array<i32>} : memref<1x26x1000xf32, #tpu.memory_space<vmem>>, vector<1x1x16xf32>,
      %slice3A_279 = vector.extract_strided_slice %get3A_23 {offsets = [9], sizes = [1], strides = [1]} : vector<16xi32> to vector<1xi32>
      %squeeze3A_280 = vector.extract %slice3A_279[0] : i32 from vector<1xi32>
      %shift_right_arithmetic3A_281 = arith.constant 4 : i32
      %shift_right_arithmetic3A_282 = arith.shrsi %squeeze3A_280, %shift_right_arithmetic3A_281 : i32
      %shift_left3A_283 = arith.constant 4 : i32
      %shift_left3A_284 = arith.shli %shift_right_arithmetic3A_282, %shift_left3A_283 : i32
      %multiple_of3A_285 = tpu.assume_multiple %shift_left3A_284, 16 : i32
      %get3A_286 = arith.constant 0 : i32
      %get3A_287 = arith.constant 9 : i32
      %get3A_288 = arith.index_cast %get3A_286 : i32 to index
      %get3A_289 = arith.index_cast %get3A_287 : i32 to index
      %get3A_290 = arith.index_cast %multiple_of3A_285 : i32 to index
      %get3A_291 = tpu.vector_load %arg5[%get3A_288, %get3A_289, %get3A_290] {strides = array<i32>} : memref<1x26x1000xf32, #tpu.memory_space<vmem>>, vector<1x1x16xf32>,
      %get3A_292 = vector.shape_cast %get3A_291 : vector<1x1x16xf32> to vector<16xf32>
      %add3A_293 = vector.broadcast %multiple_of3A_285 : i32 to vector<16xi32>
      %add3A_294 = arith.addi %iota3A, %add3A_293 : vector<16xi32>
      %eq3A_295 = vector.broadcast %squeeze3A_280 : i32 to vector<16xi32>
      %eq3A_296 = arith.cmpi eq, %add3A_294, %eq3A_295 : vector<16xi32>
      %jit3A_297 = arith.constant 1.000000e+00 : f32
      %broadcast_in_dim3A_298 = vector.broadcast %jit3A_297 : f32 to vector<16xf32>
      %select_n3A_299 = arith.select %eq3A_296, %broadcast_in_dim3A_298, %get3A_292 : vector<16xi1>, vector<16xf32>
      %swap3A_300 = arith.constant 0 : i32
      %swap3A_301 = arith.constant 9 : i32
      %swap3A_302 = arith.index_cast %swap3A_300 : i32 to index
      %swap3A_303 = arith.index_cast %swap3A_301 : i32 to index
      %swap3A_304 = arith.index_cast %multiple_of3A_285 : i32 to index
      %swap3A_305 = tpu.vector_load %arg5[%swap3A_302, %swap3A_303, %swap3A_304] {strides = array<i32>} : memref<1x26x1000xf32, #tpu.memory_space<vmem>>, vector<1x1x16xf32>,
      %swap3A_306 = vector.shape_cast %swap3A_305 : vector<1x1x16xf32> to vector<16xf32>
      %swap3A_307 = vector.shape_cast %select_n3A_299 : vector<16xf32> to vector<1x1x16xf32>
      tpu.vector_store %arg5[%swap3A_302, %swap3A_303, %swap3A_304], %swap3A_307 {strides = array<i32>} : memref<1x26x1000xf32, #tpu.memory_space<vmem>>, vector<1x1x16xf32>,
      %slice3A_308 = vector.extract_strided_slice %get3A_23 {offsets = [10], sizes = [1], strides = [1]} : vector<16xi32> to vector<1xi32>
      %squeeze3A_309 = vector.extract %slice3A_308[0] : i32 from vector<1xi32>
      %shift_right_arithmetic3A_310 = arith.constant 4 : i32
      %shift_right_arithmetic3A_311 = arith.shrsi %squeeze3A_309, %shift_right_arithmetic3A_310 : i32
      %shift_left3A_312 = arith.constant 4 : i32
      %shift_left3A_313 = arith.shli %shift_right_arithmetic3A_311, %shift_left3A_312 : i32
      %multiple_of3A_314 = tpu.assume_multiple %shift_left3A_313, 16 : i32
      %get3A_315 = arith.constant 0 : i32
      %get3A_316 = arith.constant 10 : i32
      %get3A_317 = arith.index_cast %get3A_315 : i32 to index
      %get3A_318 = arith.index_cast %get3A_316 : i32 to index
      %get3A_319 = arith.index_cast %multiple_of3A_314 : i32 to index
      %get3A_320 = tpu.vector_load %arg5[%get3A_317, %get3A_318, %get3A_319] {strides = array<i32>} : memref<1x26x1000xf32, #tpu.memory_space<vmem>>, vector<1x1x16xf32>,
      %get3A_321 = vector.shape_cast %get3A_320 : vector<1x1x16xf32> to vector<16xf32>
      %add3A_322 = vector.broadcast %multiple_of3A_314 : i32 to vector<16xi32>
      %add3A_323 = arith.addi %iota3A, %add3A_322 : vector<16xi32>
      %eq3A_324 = vector.broadcast %squeeze3A_309 : i32 to vector<16xi32>
      %eq3A_325 = arith.cmpi eq, %add3A_323, %eq3A_324 : vector<16xi32>
      %jit3A_326 = arith.constant 1.000000e+00 : f32
      %broadcast_in_dim3A_327 = vector.broadcast %jit3A_326 : f32 to vector<16xf32>
      %select_n3A_328 = arith.select %eq3A_325, %broadcast_in_dim3A_327, %get3A_321 : vector<16xi1>, vector<16xf32>
      %swap3A_329 = arith.constant 0 : i32
      %swap3A_330 = arith.constant 10 : i32
      %swap3A_331 = arith.index_cast %swap3A_329 : i32 to index
      %swap3A_332 = arith.index_cast %swap3A_330 : i32 to index
      %swap3A_333 = arith.index_cast %multiple_of3A_314 : i32 to index
      %swap3A_334 = tpu.vector_load %arg5[%swap3A_331, %swap3A_332, %swap3A_333] {strides = array<i32>} : memref<1x26x1000xf32, #tpu.memory_space<vmem>>, vector<1x1x16xf32>,
      %swap3A_335 = vector.shape_cast %swap3A_334 : vector<1x1x16xf32> to vector<16xf32>
      %swap3A_336 = vector.shape_cast %select_n3A_328 : vector<16xf32> to vector<1x1x16xf32>
      tpu.vector_store %arg5[%swap3A_331, %swap3A_332, %swap3A_333], %swap3A_336 {strides = array<i32>} : memref<1x26x1000xf32, #tpu.memory_space<vmem>>, vector<1x1x16xf32>,
      %slice3A_337 = vector.extract_strided_slice %get3A_23 {offsets = [11], sizes = [1], strides = [1]} : vector<16xi32> to vector<1xi32>
      %squeeze3A_338 = vector.extract %slice3A_337[0] : i32 from vector<1xi32>
      %shift_right_arithmetic3A_339 = arith.constant 4 : i32
      %shift_right_arithmetic3A_340 = arith.shrsi %squeeze3A_338, %shift_right_arithmetic3A_339 : i32
      %shift_left3A_341 = arith.constant 4 : i32
      %shift_left3A_342 = arith.shli %shift_right_arithmetic3A_340, %shift_left3A_341 : i32
      %multiple_of3A_343 = tpu.assume_multiple %shift_left3A_342, 16 : i32
      %get3A_344 = arith.constant 0 : i32
      %get3A_345 = arith.constant 11 : i32
      %get3A_346 = arith.index_cast %get3A_344 : i32 to index
      %get3A_347 = arith.index_cast %get3A_345 : i32 to index
      %get3A_348 = arith.index_cast %multiple_of3A_343 : i32 to index
      %get3A_349 = tpu.vector_load %arg5[%get3A_346, %get3A_347, %get3A_348] {strides = array<i32>} : memref<1x26x1000xf32, #tpu.memory_space<vmem>>, vector<1x1x16xf32>,
      %get3A_350 = vector.shape_cast %get3A_349 : vector<1x1x16xf32> to vector<16xf32>
      %add3A_351 = vector.broadcast %multiple_of3A_343 : i32 to vector<16xi32>
      %add3A_352 = arith.addi %iota3A, %add3A_351 : vector<16xi32>
      %eq3A_353 = vector.broadcast %squeeze3A_338 : i32 to vector<16xi32>
      %eq3A_354 = arith.cmpi eq, %add3A_352, %eq3A_353 : vector<16xi32>
      %jit3A_355 = arith.constant 1.000000e+00 : f32
      %broadcast_in_dim3A_356 = vector.broadcast %jit3A_355 : f32 to vector<16xf32>
      %select_n3A_357 = arith.select %eq3A_354, %broadcast_in_dim3A_356, %get3A_350 : vector<16xi1>, vector<16xf32>
      %swap3A_358 = arith.constant 0 : i32
      %swap3A_359 = arith.constant 11 : i32
      %swap3A_360 = arith.index_cast %swap3A_358 : i32 to index
      %swap3A_361 = arith.index_cast %swap3A_359 : i32 to index
      %swap3A_362 = arith.index_cast %multiple_of3A_343 : i32 to index
      %swap3A_363 = tpu.vector_load %arg5[%swap3A_360, %swap3A_361, %swap3A_362] {strides = array<i32>} : memref<1x26x1000xf32, #tpu.memory_space<vmem>>, vector<1x1x16xf32>,
      %swap3A_364 = vector.shape_cast %swap3A_363 : vector<1x1x16xf32> to vector<16xf32>
      %swap3A_365 = vector.shape_cast %select_n3A_357 : vector<16xf32> to vector<1x1x16xf32>
      tpu.vector_store %arg5[%swap3A_360, %swap3A_361, %swap3A_362], %swap3A_365 {strides = array<i32>} : memref<1x26x1000xf32, #tpu.memory_space<vmem>>, vector<1x1x16xf32>,
      %slice3A_366 = vector.extract_strided_slice %get3A_23 {offsets = [12], sizes = [1], strides = [1]} : vector<16xi32> to vector<1xi32>
      %squeeze3A_367 = vector.extract %slice3A_366[0] : i32 from vector<1xi32>
      %shift_right_arithmetic3A_368 = arith.constant 4 : i32
      %shift_right_arithmetic3A_369 = arith.shrsi %squeeze3A_367, %shift_right_arithmetic3A_368 : i32
      %shift_left3A_370 = arith.constant 4 : i32
      %shift_left3A_371 = arith.shli %shift_right_arithmetic3A_369, %shift_left3A_370 : i32
      %multiple_of3A_372 = tpu.assume_multiple %shift_left3A_371, 16 : i32
      %get3A_373 = arith.constant 0 : i32
      %get3A_374 = arith.constant 12 : i32
      %get3A_375 = arith.index_cast %get3A_373 : i32 to index
      %get3A_376 = arith.index_cast %get3A_374 : i32 to index
      %get3A_377 = arith.index_cast %multiple_of3A_372 : i32 to index
      %get3A_378 = tpu.vector_load %arg5[%get3A_375, %get3A_376, %get3A_377] {strides = array<i32>} : memref<1x26x1000xf32, #tpu.memory_space<vmem>>, vector<1x1x16xf32>,
      %get3A_379 = vector.shape_cast %get3A_378 : vector<1x1x16xf32> to vector<16xf32>
      %add3A_380 = vector.broadcast %multiple_of3A_372 : i32 to vector<16xi32>
      %add3A_381 = arith.addi %iota3A, %add3A_380 : vector<16xi32>
      %eq3A_382 = vector.broadcast %squeeze3A_367 : i32 to vector<16xi32>
      %eq3A_383 = arith.cmpi eq, %add3A_381, %eq3A_382 : vector<16xi32>
      %jit3A_384 = arith.constant 1.000000e+00 : f32
      %broadcast_in_dim3A_385 = vector.broadcast %jit3A_384 : f32 to vector<16xf32>
      %select_n3A_386 = arith.select %eq3A_383, %broadcast_in_dim3A_385, %get3A_379 : vector<16xi1>, vector<16xf32>
      %swap3A_387 = arith.constant 0 : i32
      %swap3A_388 = arith.constant 12 : i32
      %swap3A_389 = arith.index_cast %swap3A_387 : i32 to index
      %swap3A_390 = arith.index_cast %swap3A_388 : i32 to index
      %swap3A_391 = arith.index_cast %multiple_of3A_372 : i32 to index
      %swap3A_392 = tpu.vector_load %arg5[%swap3A_389, %swap3A_390, %swap3A_391] {strides = array<i32>} : memref<1x26x1000xf32, #tpu.memory_space<vmem>>, vector<1x1x16xf32>,
      %swap3A_393 = vector.shape_cast %swap3A_392 : vector<1x1x16xf32> to vector<16xf32>
      %swap3A_394 = vector.shape_cast %select_n3A_386 : vector<16xf32> to vector<1x1x16xf32>
      tpu.vector_store %arg5[%swap3A_389, %swap3A_390, %swap3A_391], %swap3A_394 {strides = array<i32>} : memref<1x26x1000xf32, #tpu.memory_space<vmem>>, vector<1x1x16xf32>,
      %slice3A_395 = vector.extract_strided_slice %get3A_23 {offsets = [13], sizes = [1], strides = [1]} : vector<16xi32> to vector<1xi32>
      %squeeze3A_396 = vector.extract %slice3A_395[0] : i32 from vector<1xi32>
      %shift_right_arithmetic3A_397 = arith.constant 4 : i32
      %shift_right_arithmetic3A_398 = arith.shrsi %squeeze3A_396, %shift_right_arithmetic3A_397 : i32
      %shift_left3A_399 = arith.constant 4 : i32
      %shift_left3A_400 = arith.shli %shift_right_arithmetic3A_398, %shift_left3A_399 : i32
      %multiple_of3A_401 = tpu.assume_multiple %shift_left3A_400, 16 : i32
      %get3A_402 = arith.constant 0 : i32
      %get3A_403 = arith.constant 13 : i32
      %get3A_404 = arith.index_cast %get3A_402 : i32 to index
      %get3A_405 = arith.index_cast %get3A_403 : i32 to index
      %get3A_406 = arith.index_cast %multiple_of3A_401 : i32 to index
      %get3A_407 = tpu.vector_load %arg5[%get3A_404, %get3A_405, %get3A_406] {strides = array<i32>} : memref<1x26x1000xf32, #tpu.memory_space<vmem>>, vector<1x1x16xf32>,
      %get3A_408 = vector.shape_cast %get3A_407 : vector<1x1x16xf32> to vector<16xf32>
      %add3A_409 = vector.broadcast %multiple_of3A_401 : i32 to vector<16xi32>
      %add3A_410 = arith.addi %iota3A, %add3A_409 : vector<16xi32>
      %eq3A_411 = vector.broadcast %squeeze3A_396 : i32 to vector<16xi32>
      %eq3A_412 = arith.cmpi eq, %add3A_410, %eq3A_411 : vector<16xi32>
      %jit3A_413 = arith.constant 1.000000e+00 : f32
      %broadcast_in_dim3A_414 = vector.broadcast %jit3A_413 : f32 to vector<16xf32>
      %select_n3A_415 = arith.select %eq3A_412, %broadcast_in_dim3A_414, %get3A_408 : vector<16xi1>, vector<16xf32>
      %swap3A_416 = arith.constant 0 : i32
      %swap3A_417 = arith.constant 13 : i32
      %swap3A_418 = arith.index_cast %swap3A_416 : i32 to index
      %swap3A_419 = arith.index_cast %swap3A_417 : i32 to index
      %swap3A_420 = arith.index_cast %multiple_of3A_401 : i32 to index
      %swap3A_421 = tpu.vector_load %arg5[%swap3A_418, %swap3A_419, %swap3A_420] {strides = array<i32>} : memref<1x26x1000xf32, #tpu.memory_space<vmem>>, vector<1x1x16xf32>,
      %swap3A_422 = vector.shape_cast %swap3A_421 : vector<1x1x16xf32> to vector<16xf32>
      %swap3A_423 = vector.shape_cast %select_n3A_415 : vector<16xf32> to vector<1x1x16xf32>
      tpu.vector_store %arg5[%swap3A_418, %swap3A_419, %swap3A_420], %swap3A_423 {strides = array<i32>} : memref<1x26x1000xf32, #tpu.memory_space<vmem>>, vector<1x1x16xf32>,
      %slice3A_424 = vector.extract_strided_slice %get3A_23 {offsets = [14], sizes = [1], strides = [1]} : vector<16xi32> to vector<1xi32>
      %squeeze3A_425 = vector.extract %slice3A_424[0] : i32 from vector<1xi32>
      %shift_right_arithmetic3A_426 = arith.constant 4 : i32
      %shift_right_arithmetic3A_427 = arith.shrsi %squeeze3A_425, %shift_right_arithmetic3A_426 : i32
      %shift_left3A_428 = arith.constant 4 : i32
      %shift_left3A_429 = arith.shli %shift_right_arithmetic3A_427, %shift_left3A_428 : i32
      %multiple_of3A_430 = tpu.assume_multiple %shift_left3A_429, 16 : i32
      %get3A_431 = arith.constant 0 : i32
      %get3A_432 = arith.constant 14 : i32
      %get3A_433 = arith.index_cast %get3A_431 : i32 to index
      %get3A_434 = arith.index_cast %get3A_432 : i32 to index
      %get3A_435 = arith.index_cast %multiple_of3A_430 : i32 to index
      %get3A_436 = tpu.vector_load %arg5[%get3A_433, %get3A_434, %get3A_435] {strides = array<i32>} : memref<1x26x1000xf32, #tpu.memory_space<vmem>>, vector<1x1x16xf32>,
      %get3A_437 = vector.shape_cast %get3A_436 : vector<1x1x16xf32> to vector<16xf32>
      %add3A_438 = vector.broadcast %multiple_of3A_430 : i32 to vector<16xi32>
      %add3A_439 = arith.addi %iota3A, %add3A_438 : vector<16xi32>
      %eq3A_440 = vector.broadcast %squeeze3A_425 : i32 to vector<16xi32>
      %eq3A_441 = arith.cmpi eq, %add3A_439, %eq3A_440 : vector<16xi32>
      %jit3A_442 = arith.constant 1.000000e+00 : f32
      %broadcast_in_dim3A_443 = vector.broadcast %jit3A_442 : f32 to vector<16xf32>
      %select_n3A_444 = arith.select %eq3A_441, %broadcast_in_dim3A_443, %get3A_437 : vector<16xi1>, vector<16xf32>
      %swap3A_445 = arith.constant 0 : i32
      %swap3A_446 = arith.constant 14 : i32
      %swap3A_447 = arith.index_cast %swap3A_445 : i32 to index
      %swap3A_448 = arith.index_cast %swap3A_446 : i32 to index
      %swap3A_449 = arith.index_cast %multiple_of3A_430 : i32 to index
      %swap3A_450 = tpu.vector_load %arg5[%swap3A_447, %swap3A_448, %swap3A_449] {strides = array<i32>} : memref<1x26x1000xf32, #tpu.memory_space<vmem>>, vector<1x1x16xf32>,
      %swap3A_451 = vector.shape_cast %swap3A_450 : vector<1x1x16xf32> to vector<16xf32>
      %swap3A_452 = vector.shape_cast %select_n3A_444 : vector<16xf32> to vector<1x1x16xf32>
      tpu.vector_store %arg5[%swap3A_447, %swap3A_448, %swap3A_449], %swap3A_452 {strides = array<i32>} : memref<1x26x1000xf32, #tpu.memory_space<vmem>>, vector<1x1x16xf32>,
      %slice3A_453 = vector.extract_strided_slice %get3A_23 {offsets = [15], sizes = [1], strides = [1]} : vector<16xi32> to vector<1xi32>
      %squeeze3A_454 = vector.extract %slice3A_453[0] : i32 from vector<1xi32>
      %shift_right_arithmetic3A_455 = arith.constant 4 : i32
      %shift_right_arithmetic3A_456 = arith.shrsi %squeeze3A_454, %shift_right_arithmetic3A_455 : i32
      %shift_left3A_457 = arith.constant 4 : i32
      %shift_left3A_458 = arith.shli %shift_right_arithmetic3A_456, %shift_left3A_457 : i32
      %multiple_of3A_459 = tpu.assume_multiple %shift_left3A_458, 16 : i32
      %get3A_460 = arith.constant 0 : i32
      %get3A_461 = arith.constant 15 : i32
      %get3A_462 = arith.index_cast %get3A_460 : i32 to index
      %get3A_463 = arith.index_cast %get3A_461 : i32 to index
      %get3A_464 = arith.index_cast %multiple_of3A_459 : i32 to index
      %get3A_465 = tpu.vector_load %arg5[%get3A_462, %get3A_463, %get3A_464] {strides = array<i32>} : memref<1x26x1000xf32, #tpu.memory_space<vmem>>, vector<1x1x16xf32>,
      %get3A_466 = vector.shape_cast %get3A_465 : vector<1x1x16xf32> to vector<16xf32>
      %add3A_467 = vector.broadcast %multiple_of3A_459 : i32 to vector<16xi32>
      %add3A_468 = arith.addi %iota3A, %add3A_467 : vector<16xi32>
      %eq3A_469 = vector.broadcast %squeeze3A_454 : i32 to vector<16xi32>
      %eq3A_470 = arith.cmpi eq, %add3A_468, %eq3A_469 : vector<16xi32>
      %jit3A_471 = arith.constant 1.000000e+00 : f32
      %broadcast_in_dim3A_472 = vector.broadcast %jit3A_471 : f32 to vector<16xf32>
      %select_n3A_473 = arith.select %eq3A_470, %broadcast_in_dim3A_472, %get3A_466 : vector<16xi1>, vector<16xf32>
      %swap3A_474 = arith.constant 0 : i32
      %swap3A_475 = arith.constant 15 : i32
      %swap3A_476 = arith.index_cast %swap3A_474 : i32 to index
      %swap3A_477 = arith.index_cast %swap3A_475 : i32 to index
      %swap3A_478 = arith.index_cast %multiple_of3A_459 : i32 to index
      %swap3A_479 = tpu.vector_load %arg5[%swap3A_476, %swap3A_477, %swap3A_478] {strides = array<i32>} : memref<1x26x1000xf32, #tpu.memory_space<vmem>>, vector<1x1x16xf32>,
      %swap3A_480 = vector.shape_cast %swap3A_479 : vector<1x1x16xf32> to vector<16xf32>
      %swap3A_481 = vector.shape_cast %select_n3A_473 : vector<16xf32> to vector<1x1x16xf32>
      tpu.vector_store %arg5[%swap3A_476, %swap3A_477, %swap3A_478], %swap3A_481 {strides = array<i32>} : memref<1x26x1000xf32, #tpu.memory_space<vmem>>, vector<1x1x16xf32>,
      %slice3A_482 = vector.extract_strided_slice %get3A_26 {offsets = [0], sizes = [1], strides = [1]} : vector<16xi32> to vector<1xi32>
      %squeeze3A_483 = vector.extract %slice3A_482[0] : i32 from vector<1xi32>
      %shift_right_arithmetic3A_484 = arith.constant 4 : i32
      %shift_right_arithmetic3A_485 = arith.shrsi %squeeze3A_483, %shift_right_arithmetic3A_484 : i32
      %shift_left3A_486 = arith.constant 4 : i32
      %shift_left3A_487 = arith.shli %shift_right_arithmetic3A_485, %shift_left3A_486 : i32
      %multiple_of3A_488 = tpu.assume_multiple %shift_left3A_487, 16 : i32
      %get3A_489 = arith.constant 0 : i32
      %get3A_490 = arith.constant 16 : i32
      %get3A_491 = arith.index_cast %get3A_489 : i32 to index
      %get3A_492 = arith.index_cast %get3A_490 : i32 to index
      %get3A_493 = arith.index_cast %multiple_of3A_488 : i32 to index
      %get3A_494 = tpu.vector_load %arg5[%get3A_491, %get3A_492, %get3A_493] {strides = array<i32>} : memref<1x26x1000xf32, #tpu.memory_space<vmem>>, vector<1x1x16xf32>,
      %get3A_495 = vector.shape_cast %get3A_494 : vector<1x1x16xf32> to vector<16xf32>
      %add3A_496 = vector.broadcast %multiple_of3A_488 : i32 to vector<16xi32>
      %add3A_497 = arith.addi %iota3A, %add3A_496 : vector<16xi32>
      %eq3A_498 = vector.broadcast %squeeze3A_483 : i32 to vector<16xi32>
      %eq3A_499 = arith.cmpi eq, %add3A_497, %eq3A_498 : vector<16xi32>
      %jit3A_500 = arith.constant 1.000000e+00 : f32
      %broadcast_in_dim3A_501 = vector.broadcast %jit3A_500 : f32 to vector<16xf32>
      %select_n3A_502 = arith.select %eq3A_499, %broadcast_in_dim3A_501, %get3A_495 : vector<16xi1>, vector<16xf32>
      %swap3A_503 = arith.constant 0 : i32
      %swap3A_504 = arith.constant 16 : i32
      %swap3A_505 = arith.index_cast %swap3A_503 : i32 to index
      %swap3A_506 = arith.index_cast %swap3A_504 : i32 to index
      %swap3A_507 = arith.index_cast %multiple_of3A_488 : i32 to index
      %swap3A_508 = tpu.vector_load %arg5[%swap3A_505, %swap3A_506, %swap3A_507] {strides = array<i32>} : memref<1x26x1000xf32, #tpu.memory_space<vmem>>, vector<1x1x16xf32>,
      %swap3A_509 = vector.shape_cast %swap3A_508 : vector<1x1x16xf32> to vector<16xf32>
      %swap3A_510 = vector.shape_cast %select_n3A_502 : vector<16xf32> to vector<1x1x16xf32>
      tpu.vector_store %arg5[%swap3A_505, %swap3A_506, %swap3A_507], %swap3A_510 {strides = array<i32>} : memref<1x26x1000xf32, #tpu.memory_space<vmem>>, vector<1x1x16xf32>,
      %slice3A_511 = vector.extract_strided_slice %get3A_26 {offsets = [1], sizes = [1], strides = [1]} : vector<16xi32> to vector<1xi32>
      %squeeze3A_512 = vector.extract %slice3A_511[0] : i32 from vector<1xi32>
      %shift_right_arithmetic3A_513 = arith.constant 4 : i32
      %shift_right_arithmetic3A_514 = arith.shrsi %squeeze3A_512, %shift_right_arithmetic3A_513 : i32
      %shift_left3A_515 = arith.constant 4 : i32
      %shift_left3A_516 = arith.shli %shift_right_arithmetic3A_514, %shift_left3A_515 : i32
      %multiple_of3A_517 = tpu.assume_multiple %shift_left3A_516, 16 : i32
      %get3A_518 = arith.constant 0 : i32
      %get3A_519 = arith.constant 17 : i32
      %get3A_520 = arith.index_cast %get3A_518 : i32 to index
      %get3A_521 = arith.index_cast %get3A_519 : i32 to index
      %get3A_522 = arith.index_cast %multiple_of3A_517 : i32 to index
      %get3A_523 = tpu.vector_load %arg5[%get3A_520, %get3A_521, %get3A_522] {strides = array<i32>} : memref<1x26x1000xf32, #tpu.memory_space<vmem>>, vector<1x1x16xf32>,
      %get3A_524 = vector.shape_cast %get3A_523 : vector<1x1x16xf32> to vector<16xf32>
      %add3A_525 = vector.broadcast %multiple_of3A_517 : i32 to vector<16xi32>
      %add3A_526 = arith.addi %iota3A, %add3A_525 : vector<16xi32>
      %eq3A_527 = vector.broadcast %squeeze3A_512 : i32 to vector<16xi32>
      %eq3A_528 = arith.cmpi eq, %add3A_526, %eq3A_527 : vector<16xi32>
      %jit3A_529 = arith.constant 1.000000e+00 : f32
      %broadcast_in_dim3A_530 = vector.broadcast %jit3A_529 : f32 to vector<16xf32>
      %select_n3A_531 = arith.select %eq3A_528, %broadcast_in_dim3A_530, %get3A_524 : vector<16xi1>, vector<16xf32>
      %swap3A_532 = arith.constant 0 : i32
      %swap3A_533 = arith.constant 17 : i32
      %swap3A_534 = arith.index_cast %swap3A_532 : i32 to index
      %swap3A_535 = arith.index_cast %swap3A_533 : i32 to index
      %swap3A_536 = arith.index_cast %multiple_of3A_517 : i32 to index
      %swap3A_537 = tpu.vector_load %arg5[%swap3A_534, %swap3A_535, %swap3A_536] {strides = array<i32>} : memref<1x26x1000xf32, #tpu.memory_space<vmem>>, vector<1x1x16xf32>,
      %swap3A_538 = vector.shape_cast %swap3A_537 : vector<1x1x16xf32> to vector<16xf32>
      %swap3A_539 = vector.shape_cast %select_n3A_531 : vector<16xf32> to vector<1x1x16xf32>
      tpu.vector_store %arg5[%swap3A_534, %swap3A_535, %swap3A_536], %swap3A_539 {strides = array<i32>} : memref<1x26x1000xf32, #tpu.memory_space<vmem>>, vector<1x1x16xf32>,
      %slice3A_540 = vector.extract_strided_slice %get3A_26 {offsets = [2], sizes = [1], strides = [1]} : vector<16xi32> to vector<1xi32>
      %squeeze3A_541 = vector.extract %slice3A_540[0] : i32 from vector<1xi32>
      %shift_right_arithmetic3A_542 = arith.constant 4 : i32
      %shift_right_arithmetic3A_543 = arith.shrsi %squeeze3A_541, %shift_right_arithmetic3A_542 : i32
      %shift_left3A_544 = arith.constant 4 : i32
      %shift_left3A_545 = arith.shli %shift_right_arithmetic3A_543, %shift_left3A_544 : i32
      %multiple_of3A_546 = tpu.assume_multiple %shift_left3A_545, 16 : i32
      %get3A_547 = arith.constant 0 : i32
      %get3A_548 = arith.constant 18 : i32
      %get3A_549 = arith.index_cast %get3A_547 : i32 to index
      %get3A_550 = arith.index_cast %get3A_548 : i32 to index
      %get3A_551 = arith.index_cast %multiple_of3A_546 : i32 to index
      %get3A_552 = tpu.vector_load %arg5[%get3A_549, %get3A_550, %get3A_551] {strides = array<i32>} : memref<1x26x1000xf32, #tpu.memory_space<vmem>>, vector<1x1x16xf32>,
      %get3A_553 = vector.shape_cast %get3A_552 : vector<1x1x16xf32> to vector<16xf32>
      %add3A_554 = vector.broadcast %multiple_of3A_546 : i32 to vector<16xi32>
      %add3A_555 = arith.addi %iota3A, %add3A_554 : vector<16xi32>
      %eq3A_556 = vector.broadcast %squeeze3A_541 : i32 to vector<16xi32>
      %eq3A_557 = arith.cmpi eq, %add3A_555, %eq3A_556 : vector<16xi32>
      %jit3A_558 = arith.constant 1.000000e+00 : f32
      %broadcast_in_dim3A_559 = vector.broadcast %jit3A_558 : f32 to vector<16xf32>
      %select_n3A_560 = arith.select %eq3A_557, %broadcast_in_dim3A_559, %get3A_553 : vector<16xi1>, vector<16xf32>
      %swap3A_561 = arith.constant 0 : i32
      %swap3A_562 = arith.constant 18 : i32
      %swap3A_563 = arith.index_cast %swap3A_561 : i32 to index
      %swap3A_564 = arith.index_cast %swap3A_562 : i32 to index
      %swap3A_565 = arith.index_cast %multiple_of3A_546 : i32 to index
      %swap3A_566 = tpu.vector_load %arg5[%swap3A_563, %swap3A_564, %swap3A_565] {strides = array<i32>} : memref<1x26x1000xf32, #tpu.memory_space<vmem>>, vector<1x1x16xf32>,
      %swap3A_567 = vector.shape_cast %swap3A_566 : vector<1x1x16xf32> to vector<16xf32>
      %swap3A_568 = vector.shape_cast %select_n3A_560 : vector<16xf32> to vector<1x1x16xf32>
      tpu.vector_store %arg5[%swap3A_563, %swap3A_564, %swap3A_565], %swap3A_568 {strides = array<i32>} : memref<1x26x1000xf32, #tpu.memory_space<vmem>>, vector<1x1x16xf32>,
      %slice3A_569 = vector.extract_strided_slice %get3A_26 {offsets = [3], sizes = [1], strides = [1]} : vector<16xi32> to vector<1xi32>
      %squeeze3A_570 = vector.extract %slice3A_569[0] : i32 from vector<1xi32>
      %shift_right_arithmetic3A_571 = arith.constant 4 : i32
      %shift_right_arithmetic3A_572 = arith.shrsi %squeeze3A_570, %shift_right_arithmetic3A_571 : i32
      %shift_left3A_573 = arith.constant 4 : i32
      %shift_left3A_574 = arith.shli %shift_right_arithmetic3A_572, %shift_left3A_573 : i32
      %multiple_of3A_575 = tpu.assume_multiple %shift_left3A_574, 16 : i32
      %get3A_576 = arith.constant 0 : i32
      %get3A_577 = arith.constant 19 : i32
      %get3A_578 = arith.index_cast %get3A_576 : i32 to index
      %get3A_579 = arith.index_cast %get3A_577 : i32 to index
      %get3A_580 = arith.index_cast %multiple_of3A_575 : i32 to index
      %get3A_581 = tpu.vector_load %arg5[%get3A_578, %get3A_579, %get3A_580] {strides = array<i32>} : memref<1x26x1000xf32, #tpu.memory_space<vmem>>, vector<1x1x16xf32>,
      %get3A_582 = vector.shape_cast %get3A_581 : vector<1x1x16xf32> to vector<16xf32>
      %add3A_583 = vector.broadcast %multiple_of3A_575 : i32 to vector<16xi32>
      %add3A_584 = arith.addi %iota3A, %add3A_583 : vector<16xi32>
      %eq3A_585 = vector.broadcast %squeeze3A_570 : i32 to vector<16xi32>
      %eq3A_586 = arith.cmpi eq, %add3A_584, %eq3A_585 : vector<16xi32>
      %jit3A_587 = arith.constant 1.000000e+00 : f32
      %broadcast_in_dim3A_588 = vector.broadcast %jit3A_587 : f32 to vector<16xf32>
      %select_n3A_589 = arith.select %eq3A_586, %broadcast_in_dim3A_588, %get3A_582 : vector<16xi1>, vector<16xf32>
      %swap3A_590 = arith.constant 0 : i32
      %swap3A_591 = arith.constant 19 : i32
      %swap3A_592 = arith.index_cast %swap3A_590 : i32 to index
      %swap3A_593 = arith.index_cast %swap3A_591 : i32 to index
      %swap3A_594 = arith.index_cast %multiple_of3A_575 : i32 to index
      %swap3A_595 = tpu.vector_load %arg5[%swap3A_592, %swap3A_593, %swap3A_594] {strides = array<i32>} : memref<1x26x1000xf32, #tpu.memory_space<vmem>>, vector<1x1x16xf32>,
      %swap3A_596 = vector.shape_cast %swap3A_595 : vector<1x1x16xf32> to vector<16xf32>
      %swap3A_597 = vector.shape_cast %select_n3A_589 : vector<16xf32> to vector<1x1x16xf32>
      tpu.vector_store %arg5[%swap3A_592, %swap3A_593, %swap3A_594], %swap3A_597 {strides = array<i32>} : memref<1x26x1000xf32, #tpu.memory_space<vmem>>, vector<1x1x16xf32>,
      %slice3A_598 = vector.extract_strided_slice %get3A_26 {offsets = [4], sizes = [1], strides = [1]} : vector<16xi32> to vector<1xi32>
      %squeeze3A_599 = vector.extract %slice3A_598[0] : i32 from vector<1xi32>
      %shift_right_arithmetic3A_600 = arith.constant 4 : i32
      %shift_right_arithmetic3A_601 = arith.shrsi %squeeze3A_599, %shift_right_arithmetic3A_600 : i32
      %shift_left3A_602 = arith.constant 4 : i32
      %shift_left3A_603 = arith.shli %shift_right_arithmetic3A_601, %shift_left3A_602 : i32
      %multiple_of3A_604 = tpu.assume_multiple %shift_left3A_603, 16 : i32
      %get3A_605 = arith.constant 0 : i32
      %get3A_606 = arith.constant 20 : i32
      %get3A_607 = arith.index_cast %get3A_605 : i32 to index
      %get3A_608 = arith.index_cast %get3A_606 : i32 to index
      %get3A_609 = arith.index_cast %multiple_of3A_604 : i32 to index
      %get3A_610 = tpu.vector_load %arg5[%get3A_607, %get3A_608, %get3A_609] {strides = array<i32>} : memref<1x26x1000xf32, #tpu.memory_space<vmem>>, vector<1x1x16xf32>,
      %get3A_611 = vector.shape_cast %get3A_610 : vector<1x1x16xf32> to vector<16xf32>
      %add3A_612 = vector.broadcast %multiple_of3A_604 : i32 to vector<16xi32>
      %add3A_613 = arith.addi %iota3A, %add3A_612 : vector<16xi32>
      %eq3A_614 = vector.broadcast %squeeze3A_599 : i32 to vector<16xi32>
      %eq3A_615 = arith.cmpi eq, %add3A_613, %eq3A_614 : vector<16xi32>
      %jit3A_616 = arith.constant 1.000000e+00 : f32
      %broadcast_in_dim3A_617 = vector.broadcast %jit3A_616 : f32 to vector<16xf32>
      %select_n3A_618 = arith.select %eq3A_615, %broadcast_in_dim3A_617, %get3A_611 : vector<16xi1>, vector<16xf32>
      %swap3A_619 = arith.constant 0 : i32
      %swap3A_620 = arith.constant 20 : i32
      %swap3A_621 = arith.index_cast %swap3A_619 : i32 to index
      %swap3A_622 = arith.index_cast %swap3A_620 : i32 to index
      %swap3A_623 = arith.index_cast %multiple_of3A_604 : i32 to index
      %swap3A_624 = tpu.vector_load %arg5[%swap3A_621, %swap3A_622, %swap3A_623] {strides = array<i32>} : memref<1x26x1000xf32, #tpu.memory_space<vmem>>, vector<1x1x16xf32>,
      %swap3A_625 = vector.shape_cast %swap3A_624 : vector<1x1x16xf32> to vector<16xf32>
      %swap3A_626 = vector.shape_cast %select_n3A_618 : vector<16xf32> to vector<1x1x16xf32>
      tpu.vector_store %arg5[%swap3A_621, %swap3A_622, %swap3A_623], %swap3A_626 {strides = array<i32>} : memref<1x26x1000xf32, #tpu.memory_space<vmem>>, vector<1x1x16xf32>,
      %slice3A_627 = vector.extract_strided_slice %get3A_26 {offsets = [5], sizes = [1], strides = [1]} : vector<16xi32> to vector<1xi32>
      %squeeze3A_628 = vector.extract %slice3A_627[0] : i32 from vector<1xi32>
      %shift_right_arithmetic3A_629 = arith.constant 4 : i32
      %shift_right_arithmetic3A_630 = arith.shrsi %squeeze3A_628, %shift_right_arithmetic3A_629 : i32
      %shift_left3A_631 = arith.constant 4 : i32
      %shift_left3A_632 = arith.shli %shift_right_arithmetic3A_630, %shift_left3A_631 : i32
      %multiple_of3A_633 = tpu.assume_multiple %shift_left3A_632, 16 : i32
      %get3A_634 = arith.constant 0 : i32
      %get3A_635 = arith.constant 21 : i32
      %get3A_636 = arith.index_cast %get3A_634 : i32 to index
      %get3A_637 = arith.index_cast %get3A_635 : i32 to index
      %get3A_638 = arith.index_cast %multiple_of3A_633 : i32 to index
      %get3A_639 = tpu.vector_load %arg5[%get3A_636, %get3A_637, %get3A_638] {strides = array<i32>} : memref<1x26x1000xf32, #tpu.memory_space<vmem>>, vector<1x1x16xf32>,
      %get3A_640 = vector.shape_cast %get3A_639 : vector<1x1x16xf32> to vector<16xf32>
      %add3A_641 = vector.broadcast %multiple_of3A_633 : i32 to vector<16xi32>
      %add3A_642 = arith.addi %iota3A, %add3A_641 : vector<16xi32>
      %eq3A_643 = vector.broadcast %squeeze3A_628 : i32 to vector<16xi32>
      %eq3A_644 = arith.cmpi eq, %add3A_642, %eq3A_643 : vector<16xi32>
      %jit3A_645 = arith.constant 1.000000e+00 : f32
      %broadcast_in_dim3A_646 = vector.broadcast %jit3A_645 : f32 to vector<16xf32>
      %select_n3A_647 = arith.select %eq3A_644, %broadcast_in_dim3A_646, %get3A_640 : vector<16xi1>, vector<16xf32>
      %swap3A_648 = arith.constant 0 : i32
      %swap3A_649 = arith.constant 21 : i32
      %swap3A_650 = arith.index_cast %swap3A_648 : i32 to index
      %swap3A_651 = arith.index_cast %swap3A_649 : i32 to index
      %swap3A_652 = arith.index_cast %multiple_of3A_633 : i32 to index
      %swap3A_653 = tpu.vector_load %arg5[%swap3A_650, %swap3A_651, %swap3A_652] {strides = array<i32>} : memref<1x26x1000xf32, #tpu.memory_space<vmem>>, vector<1x1x16xf32>,
      %swap3A_654 = vector.shape_cast %swap3A_653 : vector<1x1x16xf32> to vector<16xf32>
      %swap3A_655 = vector.shape_cast %select_n3A_647 : vector<16xf32> to vector<1x1x16xf32>
      tpu.vector_store %arg5[%swap3A_650, %swap3A_651, %swap3A_652], %swap3A_655 {strides = array<i32>} : memref<1x26x1000xf32, #tpu.memory_space<vmem>>, vector<1x1x16xf32>,
      %slice3A_656 = vector.extract_strided_slice %get3A_26 {offsets = [6], sizes = [1], strides = [1]} : vector<16xi32> to vector<1xi32>
      %squeeze3A_657 = vector.extract %slice3A_656[0] : i32 from vector<1xi32>
      %shift_right_arithmetic3A_658 = arith.constant 4 : i32
      %shift_right_arithmetic3A_659 = arith.shrsi %squeeze3A_657, %shift_right_arithmetic3A_658 : i32
      %shift_left3A_660 = arith.constant 4 : i32
      %shift_left3A_661 = arith.shli %shift_right_arithmetic3A_659, %shift_left3A_660 : i32
      %multiple_of3A_662 = tpu.assume_multiple %shift_left3A_661, 16 : i32
      %get3A_663 = arith.constant 0 : i32
      %get3A_664 = arith.constant 22 : i32
      %get3A_665 = arith.index_cast %get3A_663 : i32 to index
      %get3A_666 = arith.index_cast %get3A_664 : i32 to index
      %get3A_667 = arith.index_cast %multiple_of3A_662 : i32 to index
      %get3A_668 = tpu.vector_load %arg5[%get3A_665, %get3A_666, %get3A_667] {strides = array<i32>} : memref<1x26x1000xf32, #tpu.memory_space<vmem>>, vector<1x1x16xf32>,
      %get3A_669 = vector.shape_cast %get3A_668 : vector<1x1x16xf32> to vector<16xf32>
      %add3A_670 = vector.broadcast %multiple_of3A_662 : i32 to vector<16xi32>
      %add3A_671 = arith.addi %iota3A, %add3A_670 : vector<16xi32>
      %eq3A_672 = vector.broadcast %squeeze3A_657 : i32 to vector<16xi32>
      %eq3A_673 = arith.cmpi eq, %add3A_671, %eq3A_672 : vector<16xi32>
      %jit3A_674 = arith.constant 1.000000e+00 : f32
      %broadcast_in_dim3A_675 = vector.broadcast %jit3A_674 : f32 to vector<16xf32>
      %select_n3A_676 = arith.select %eq3A_673, %broadcast_in_dim3A_675, %get3A_669 : vector<16xi1>, vector<16xf32>
      %swap3A_677 = arith.constant 0 : i32
      %swap3A_678 = arith.constant 22 : i32
      %swap3A_679 = arith.index_cast %swap3A_677 : i32 to index
      %swap3A_680 = arith.index_cast %swap3A_678 : i32 to index
      %swap3A_681 = arith.index_cast %multiple_of3A_662 : i32 to index
      %swap3A_682 = tpu.vector_load %arg5[%swap3A_679, %swap3A_680, %swap3A_681] {strides = array<i32>} : memref<1x26x1000xf32, #tpu.memory_space<vmem>>, vector<1x1x16xf32>,
      %swap3A_683 = vector.shape_cast %swap3A_682 : vector<1x1x16xf32> to vector<16xf32>
      %swap3A_684 = vector.shape_cast %select_n3A_676 : vector<16xf32> to vector<1x1x16xf32>
      tpu.vector_store %arg5[%swap3A_679, %swap3A_680, %swap3A_681], %swap3A_684 {strides = array<i32>} : memref<1x26x1000xf32, #tpu.memory_space<vmem>>, vector<1x1x16xf32>,
      %slice3A_685 = vector.extract_strided_slice %get3A_26 {offsets = [7], sizes = [1], strides = [1]} : vector<16xi32> to vector<1xi32>
      %squeeze3A_686 = vector.extract %slice3A_685[0] : i32 from vector<1xi32>
      %shift_right_arithmetic3A_687 = arith.constant 4 : i32
      %shift_right_arithmetic3A_688 = arith.shrsi %squeeze3A_686, %shift_right_arithmetic3A_687 : i32
      %shift_left3A_689 = arith.constant 4 : i32
      %shift_left3A_690 = arith.shli %shift_right_arithmetic3A_688, %shift_left3A_689 : i32
      %multiple_of3A_691 = tpu.assume_multiple %shift_left3A_690, 16 : i32
      %get3A_692 = arith.constant 0 : i32
      %get3A_693 = arith.constant 23 : i32
      %get3A_694 = arith.index_cast %get3A_692 : i32 to index
      %get3A_695 = arith.index_cast %get3A_693 : i32 to index
      %get3A_696 = arith.index_cast %multiple_of3A_691 : i32 to index
      %get3A_697 = tpu.vector_load %arg5[%get3A_694, %get3A_695, %get3A_696] {strides = array<i32>} : memref<1x26x1000xf32, #tpu.memory_space<vmem>>, vector<1x1x16xf32>,
      %get3A_698 = vector.shape_cast %get3A_697 : vector<1x1x16xf32> to vector<16xf32>
      %add3A_699 = vector.broadcast %multiple_of3A_691 : i32 to vector<16xi32>
      %add3A_700 = arith.addi %iota3A, %add3A_699 : vector<16xi32>
      %eq3A_701 = vector.broadcast %squeeze3A_686 : i32 to vector<16xi32>
      %eq3A_702 = arith.cmpi eq, %add3A_700, %eq3A_701 : vector<16xi32>
      %jit3A_703 = arith.constant 1.000000e+00 : f32
      %broadcast_in_dim3A_704 = vector.broadcast %jit3A_703 : f32 to vector<16xf32>
      %select_n3A_705 = arith.select %eq3A_702, %broadcast_in_dim3A_704, %get3A_698 : vector<16xi1>, vector<16xf32>
      %swap3A_706 = arith.constant 0 : i32
      %swap3A_707 = arith.constant 23 : i32
      %swap3A_708 = arith.index_cast %swap3A_706 : i32 to index
      %swap3A_709 = arith.index_cast %swap3A_707 : i32 to index
      %swap3A_710 = arith.index_cast %multiple_of3A_691 : i32 to index
      %swap3A_711 = tpu.vector_load %arg5[%swap3A_708, %swap3A_709, %swap3A_710] {strides = array<i32>} : memref<1x26x1000xf32, #tpu.memory_space<vmem>>, vector<1x1x16xf32>,
      %swap3A_712 = vector.shape_cast %swap3A_711 : vector<1x1x16xf32> to vector<16xf32>
      %swap3A_713 = vector.shape_cast %select_n3A_705 : vector<16xf32> to vector<1x1x16xf32>
      tpu.vector_store %arg5[%swap3A_708, %swap3A_709, %swap3A_710], %swap3A_713 {strides = array<i32>} : memref<1x26x1000xf32, #tpu.memory_space<vmem>>, vector<1x1x16xf32>,
      %slice3A_714 = vector.extract_strided_slice %get3A_26 {offsets = [8], sizes = [1], strides = [1]} : vector<16xi32> to vector<1xi32>
      %squeeze3A_715 = vector.extract %slice3A_714[0] : i32 from vector<1xi32>
      %shift_right_arithmetic3A_716 = arith.constant 4 : i32
      %shift_right_arithmetic3A_717 = arith.shrsi %squeeze3A_715, %shift_right_arithmetic3A_716 : i32
      %shift_left3A_718 = arith.constant 4 : i32
      %shift_left3A_719 = arith.shli %shift_right_arithmetic3A_717, %shift_left3A_718 : i32
      %multiple_of3A_720 = tpu.assume_multiple %shift_left3A_719, 16 : i32
      %get3A_721 = arith.constant 0 : i32
      %get3A_722 = arith.constant 24 : i32
      %get3A_723 = arith.index_cast %get3A_721 : i32 to index
      %get3A_724 = arith.index_cast %get3A_722 : i32 to index
      %get3A_725 = arith.index_cast %multiple_of3A_720 : i32 to index
      %get3A_726 = tpu.vector_load %arg5[%get3A_723, %get3A_724, %get3A_725] {strides = array<i32>} : memref<1x26x1000xf32, #tpu.memory_space<vmem>>, vector<1x1x16xf32>,
      %get3A_727 = vector.shape_cast %get3A_726 : vector<1x1x16xf32> to vector<16xf32>
      %add3A_728 = vector.broadcast %multiple_of3A_720 : i32 to vector<16xi32>
      %add3A_729 = arith.addi %iota3A, %add3A_728 : vector<16xi32>
      %eq3A_730 = vector.broadcast %squeeze3A_715 : i32 to vector<16xi32>
      %eq3A_731 = arith.cmpi eq, %add3A_729, %eq3A_730 : vector<16xi32>
      %jit3A_732 = arith.constant 1.000000e+00 : f32
      %broadcast_in_dim3A_733 = vector.broadcast %jit3A_732 : f32 to vector<16xf32>
      %select_n3A_734 = arith.select %eq3A_731, %broadcast_in_dim3A_733, %get3A_727 : vector<16xi1>, vector<16xf32>
      %swap3A_735 = arith.constant 0 : i32
      %swap3A_736 = arith.constant 24 : i32
      %swap3A_737 = arith.index_cast %swap3A_735 : i32 to index
      %swap3A_738 = arith.index_cast %swap3A_736 : i32 to index
      %swap3A_739 = arith.index_cast %multiple_of3A_720 : i32 to index
      %swap3A_740 = tpu.vector_load %arg5[%swap3A_737, %swap3A_738, %swap3A_739] {strides = array<i32>} : memref<1x26x1000xf32, #tpu.memory_space<vmem>>, vector<1x1x16xf32>,
      %swap3A_741 = vector.shape_cast %swap3A_740 : vector<1x1x16xf32> to vector<16xf32>
      %swap3A_742 = vector.shape_cast %select_n3A_734 : vector<16xf32> to vector<1x1x16xf32>
      tpu.vector_store %arg5[%swap3A_737, %swap3A_738, %swap3A_739], %swap3A_742 {strides = array<i32>} : memref<1x26x1000xf32, #tpu.memory_space<vmem>>, vector<1x1x16xf32>,
      %slice3A_743 = vector.extract_strided_slice %get3A_26 {offsets = [9], sizes = [1], strides = [1]} : vector<16xi32> to vector<1xi32>
      %squeeze3A_744 = vector.extract %slice3A_743[0] : i32 from vector<1xi32>
      %shift_right_arithmetic3A_745 = arith.constant 4 : i32
      %shift_right_arithmetic3A_746 = arith.shrsi %squeeze3A_744, %shift_right_arithmetic3A_745 : i32
      %shift_left3A_747 = arith.constant 4 : i32
      %shift_left3A_748 = arith.shli %shift_right_arithmetic3A_746, %shift_left3A_747 : i32
      %multiple_of3A_749 = tpu.assume_multiple %shift_left3A_748, 16 : i32
      %get3A_750 = arith.constant 0 : i32
      %get3A_751 = arith.constant 25 : i32
      %get3A_752 = arith.index_cast %get3A_750 : i32 to index
      %get3A_753 = arith.index_cast %get3A_751 : i32 to index
      %get3A_754 = arith.index_cast %multiple_of3A_749 : i32 to index
      %get3A_755 = tpu.vector_load %arg5[%get3A_752, %get3A_753, %get3A_754] {strides = array<i32>} : memref<1x26x1000xf32, #tpu.memory_space<vmem>>, vector<1x1x16xf32>,
      %get3A_756 = vector.shape_cast %get3A_755 : vector<1x1x16xf32> to vector<16xf32>
      %add3A_757 = vector.broadcast %multiple_of3A_749 : i32 to vector<16xi32>
      %add3A_758 = arith.addi %iota3A, %add3A_757 : vector<16xi32>
      %eq3A_759 = vector.broadcast %squeeze3A_744 : i32 to vector<16xi32>
      %eq3A_760 = arith.cmpi eq, %add3A_758, %eq3A_759 : vector<16xi32>
      %jit3A_761 = arith.constant 1.000000e+00 : f32
      %broadcast_in_dim3A_762 = vector.broadcast %jit3A_761 : f32 to vector<16xf32>
      %select_n3A_763 = arith.select %eq3A_760, %broadcast_in_dim3A_762, %get3A_756 : vector<16xi1>, vector<16xf32>
      %swap3A_764 = arith.constant 0 : i32
      %swap3A_765 = arith.constant 25 : i32
      %swap3A_766 = arith.index_cast %swap3A_764 : i32 to index
      %swap3A_767 = arith.index_cast %swap3A_765 : i32 to index
      %swap3A_768 = arith.index_cast %multiple_of3A_749 : i32 to index
      %swap3A_769 = tpu.vector_load %arg5[%swap3A_766, %swap3A_767, %swap3A_768] {strides = array<i32>} : memref<1x26x1000xf32, #tpu.memory_space<vmem>>, vector<1x1x16xf32>,
      %swap3A_770 = vector.shape_cast %swap3A_769 : vector<1x1x16xf32> to vector<16xf32>
      %swap3A_771 = vector.shape_cast %select_n3A_763 : vector<16xf32> to vector<1x1x16xf32>
      tpu.vector_store %arg5[%swap3A_766, %swap3A_767, %swap3A_768], %swap3A_771 {strides = array<i32>} : memref<1x26x1000xf32, #tpu.memory_space<vmem>>, vector<1x1x16xf32>,
      "tpu.region"() ({
        %run_scoped3A = tpu.sem_alloc : memref<!tpu.dma_semaphore, #tpu.memory_space<semaphore_mem>>
        %dma_start3A = arith.constant 0 : i32
        %dma_start3A_1163 = arith.constant 0 : i32
        %dma_start3A_1164 = tpu.memref_slice %arg3[%add3A_19, %dma_start3A, %dma_start3A_1163] : memref<4096x26x1000xf32, #tpu.memory_space<hbm>> -> memref<1x26x1000xf32, #tpu.memory_space<hbm>>
        %dma_start3A_1165 = arith.constant 0 : i32
        %dma_start3A_1166 = arith.constant 0 : i32
        %dma_start3A_1167 = tpu.memref_slice %arg3[%add3A_19, %dma_start3A_1165, %dma_start3A_1166] : memref<4096x26x1000xf32, #tpu.memory_space<hbm>> -> memref<1x26x1000xf32, #tpu.memory_space<hbm>>
        tpu.enqueue_dma source(%arg5 : memref<1x26x1000xf32, #tpu.memory_space<vmem>>) target(%dma_start3A_1167 : memref<1x26x1000xf32, #tpu.memory_space<hbm>>) target_semaphore(%run_scoped3A : memref<!tpu.dma_semaphore, #tpu.memory_space<semaphore_mem>>)
        %dma_wait3A = arith.constant 0 : i32
        %dma_wait3A_1168 = arith.constant 0 : i32
        %dma_wait3A_1169 = tpu.memref_slice %arg3[%add3A_19, %dma_wait3A, %dma_wait3A_1168] : memref<4096x26x1000xf32, #tpu.memory_space<hbm>> -> memref<1x26x1000xf32, #tpu.memory_space<hbm>>
        %dma_wait3A_1170 = arith.constant 0 : i32
        %dma_wait3A_1171 = arith.constant 0 : i32
        %dma_wait3A_1172 = tpu.memref_slice %arg3[%add3A_19, %dma_wait3A_1170, %dma_wait3A_1171] : memref<4096x26x1000xf32, #tpu.memory_space<hbm>> -> memref<1x26x1000xf32, #tpu.memory_space<hbm>>
        tpu.wait_dma2 semaphore(%run_scoped3A : memref<!tpu.dma_semaphore, #tpu.memory_space<semaphore_mem>>) src(%arg5 : memref<1x26x1000xf32, #tpu.memory_space<vmem>>) dst(%dma_wait3A_1172 : memref<1x26x1000xf32, #tpu.memory_space<hbm>>)
        tpu.yield
      }) : () -> ()
      %slice3A_772 = vector.extract_strided_slice %get3A_23 {offsets = [0], sizes = [1], strides = [1]} : vector<16xi32> to vector<1xi32>
      %squeeze3A_773 = vector.extract %slice3A_772[0] : i32 from vector<1xi32>
      %shift_right_arithmetic3A_774 = arith.constant 4 : i32
      %shift_right_arithmetic3A_775 = arith.shrsi %squeeze3A_773, %shift_right_arithmetic3A_774 : i32
      %shift_left3A_776 = arith.constant 4 : i32
      %shift_left3A_777 = arith.shli %shift_right_arithmetic3A_775, %shift_left3A_776 : i32
      %multiple_of3A_778 = tpu.assume_multiple %shift_left3A_777, 16 : i32
      %swap3A_779 = arith.constant 0 : i32
      %swap3A_780 = arith.constant 0 : i32
      %swap3A_781 = arith.index_cast %swap3A_779 : i32 to index
      %swap3A_782 = arith.index_cast %swap3A_780 : i32 to index
      %swap3A_783 = arith.index_cast %multiple_of3A_778 : i32 to index
      %swap3A_784 = tpu.vector_load %arg5[%swap3A_781, %swap3A_782, %swap3A_783] {strides = array<i32>} : memref<1x26x1000xf32, #tpu.memory_space<vmem>>, vector<1x1x16xf32>,
      %swap3A_785 = vector.shape_cast %swap3A_784 : vector<1x1x16xf32> to vector<16xf32>
      %swap3A_786 = vector.shape_cast %broadcast_in_dim3A_3 : vector<16xf32> to vector<1x1x16xf32>
      tpu.vector_store %arg5[%swap3A_781, %swap3A_782, %swap3A_783], %swap3A_786 {strides = array<i32>} : memref<1x26x1000xf32, #tpu.memory_space<vmem>>, vector<1x1x16xf32>,
      %slice3A_787 = vector.extract_strided_slice %get3A_23 {offsets = [1], sizes = [1], strides = [1]} : vector<16xi32> to vector<1xi32>
      %squeeze3A_788 = vector.extract %slice3A_787[0] : i32 from vector<1xi32>
      %shift_right_arithmetic3A_789 = arith.constant 4 : i32
      %shift_right_arithmetic3A_790 = arith.shrsi %squeeze3A_788, %shift_right_arithmetic3A_789 : i32
      %shift_left3A_791 = arith.constant 4 : i32
      %shift_left3A_792 = arith.shli %shift_right_arithmetic3A_790, %shift_left3A_791 : i32
      %multiple_of3A_793 = tpu.assume_multiple %shift_left3A_792, 16 : i32
      %swap3A_794 = arith.constant 0 : i32
      %swap3A_795 = arith.constant 1 : i32
      %swap3A_796 = arith.index_cast %swap3A_794 : i32 to index
      %swap3A_797 = arith.index_cast %swap3A_795 : i32 to index
      %swap3A_798 = arith.index_cast %multiple_of3A_793 : i32 to index
      %swap3A_799 = tpu.vector_load %arg5[%swap3A_796, %swap3A_797, %swap3A_798] {strides = array<i32>} : memref<1x26x1000xf32, #tpu.memory_space<vmem>>, vector<1x1x16xf32>,
      %swap3A_800 = vector.shape_cast %swap3A_799 : vector<1x1x16xf32> to vector<16xf32>
      %swap3A_801 = vector.shape_cast %broadcast_in_dim3A_3 : vector<16xf32> to vector<1x1x16xf32>
      tpu.vector_store %arg5[%swap3A_796, %swap3A_797, %swap3A_798], %swap3A_801 {strides = array<i32>} : memref<1x26x1000xf32, #tpu.memory_space<vmem>>, vector<1x1x16xf32>,
      %slice3A_802 = vector.extract_strided_slice %get3A_23 {offsets = [2], sizes = [1], strides = [1]} : vector<16xi32> to vector<1xi32>
      %squeeze3A_803 = vector.extract %slice3A_802[0] : i32 from vector<1xi32>
      %shift_right_arithmetic3A_804 = arith.constant 4 : i32
      %shift_right_arithmetic3A_805 = arith.shrsi %squeeze3A_803, %shift_right_arithmetic3A_804 : i32
      %shift_left3A_806 = arith.constant 4 : i32
      %shift_left3A_807 = arith.shli %shift_right_arithmetic3A_805, %shift_left3A_806 : i32
      %multiple_of3A_808 = tpu.assume_multiple %shift_left3A_807, 16 : i32
      %swap3A_809 = arith.constant 0 : i32
      %swap3A_810 = arith.constant 2 : i32
      %swap3A_811 = arith.index_cast %swap3A_809 : i32 to index
      %swap3A_812 = arith.index_cast %swap3A_810 : i32 to index
      %swap3A_813 = arith.index_cast %multiple_of3A_808 : i32 to index
      %swap3A_814 = tpu.vector_load %arg5[%swap3A_811, %swap3A_812, %swap3A_813] {strides = array<i32>} : memref<1x26x1000xf32, #tpu.memory_space<vmem>>, vector<1x1x16xf32>,
      %swap3A_815 = vector.shape_cast %swap3A_814 : vector<1x1x16xf32> to vector<16xf32>
      %swap3A_816 = vector.shape_cast %broadcast_in_dim3A_3 : vector<16xf32> to vector<1x1x16xf32>
      tpu.vector_store %arg5[%swap3A_811, %swap3A_812, %swap3A_813], %swap3A_816 {strides = array<i32>} : memref<1x26x1000xf32, #tpu.memory_space<vmem>>, vector<1x1x16xf32>,
      %slice3A_817 = vector.extract_strided_slice %get3A_23 {offsets = [3], sizes = [1], strides = [1]} : vector<16xi32> to vector<1xi32>
      %squeeze3A_818 = vector.extract %slice3A_817[0] : i32 from vector<1xi32>
      %shift_right_arithmetic3A_819 = arith.constant 4 : i32
      %shift_right_arithmetic3A_820 = arith.shrsi %squeeze3A_818, %shift_right_arithmetic3A_819 : i32
      %shift_left3A_821 = arith.constant 4 : i32
      %shift_left3A_822 = arith.shli %shift_right_arithmetic3A_820, %shift_left3A_821 : i32
      %multiple_of3A_823 = tpu.assume_multiple %shift_left3A_822, 16 : i32
      %swap3A_824 = arith.constant 0 : i32
      %swap3A_825 = arith.constant 3 : i32
      %swap3A_826 = arith.index_cast %swap3A_824 : i32 to index
      %swap3A_827 = arith.index_cast %swap3A_825 : i32 to index
      %swap3A_828 = arith.index_cast %multiple_of3A_823 : i32 to index
      %swap3A_829 = tpu.vector_load %arg5[%swap3A_826, %swap3A_827, %swap3A_828] {strides = array<i32>} : memref<1x26x1000xf32, #tpu.memory_space<vmem>>, vector<1x1x16xf32>,
      %swap3A_830 = vector.shape_cast %swap3A_829 : vector<1x1x16xf32> to vector<16xf32>
      %swap3A_831 = vector.shape_cast %broadcast_in_dim3A_3 : vector<16xf32> to vector<1x1x16xf32>
      tpu.vector_store %arg5[%swap3A_826, %swap3A_827, %swap3A_828], %swap3A_831 {strides = array<i32>} : memref<1x26x1000xf32, #tpu.memory_space<vmem>>, vector<1x1x16xf32>,
      %slice3A_832 = vector.extract_strided_slice %get3A_23 {offsets = [4], sizes = [1], strides = [1]} : vector<16xi32> to vector<1xi32>
      %squeeze3A_833 = vector.extract %slice3A_832[0] : i32 from vector<1xi32>
      %shift_right_arithmetic3A_834 = arith.constant 4 : i32
      %shift_right_arithmetic3A_835 = arith.shrsi %squeeze3A_833, %shift_right_arithmetic3A_834 : i32
      %shift_left3A_836 = arith.constant 4 : i32
      %shift_left3A_837 = arith.shli %shift_right_arithmetic3A_835, %shift_left3A_836 : i32
      %multiple_of3A_838 = tpu.assume_multiple %shift_left3A_837, 16 : i32
      %swap3A_839 = arith.constant 0 : i32
      %swap3A_840 = arith.constant 4 : i32
      %swap3A_841 = arith.index_cast %swap3A_839 : i32 to index
      %swap3A_842 = arith.index_cast %swap3A_840 : i32 to index
      %swap3A_843 = arith.index_cast %multiple_of3A_838 : i32 to index
      %swap3A_844 = tpu.vector_load %arg5[%swap3A_841, %swap3A_842, %swap3A_843] {strides = array<i32>} : memref<1x26x1000xf32, #tpu.memory_space<vmem>>, vector<1x1x16xf32>,
      %swap3A_845 = vector.shape_cast %swap3A_844 : vector<1x1x16xf32> to vector<16xf32>
      %swap3A_846 = vector.shape_cast %broadcast_in_dim3A_3 : vector<16xf32> to vector<1x1x16xf32>
      tpu.vector_store %arg5[%swap3A_841, %swap3A_842, %swap3A_843], %swap3A_846 {strides = array<i32>} : memref<1x26x1000xf32, #tpu.memory_space<vmem>>, vector<1x1x16xf32>,
      %slice3A_847 = vector.extract_strided_slice %get3A_23 {offsets = [5], sizes = [1], strides = [1]} : vector<16xi32> to vector<1xi32>
      %squeeze3A_848 = vector.extract %slice3A_847[0] : i32 from vector<1xi32>
      %shift_right_arithmetic3A_849 = arith.constant 4 : i32
      %shift_right_arithmetic3A_850 = arith.shrsi %squeeze3A_848, %shift_right_arithmetic3A_849 : i32
      %shift_left3A_851 = arith.constant 4 : i32
      %shift_left3A_852 = arith.shli %shift_right_arithmetic3A_850, %shift_left3A_851 : i32
      %multiple_of3A_853 = tpu.assume_multiple %shift_left3A_852, 16 : i32
      %swap3A_854 = arith.constant 0 : i32
      %swap3A_855 = arith.constant 5 : i32
      %swap3A_856 = arith.index_cast %swap3A_854 : i32 to index
      %swap3A_857 = arith.index_cast %swap3A_855 : i32 to index
      %swap3A_858 = arith.index_cast %multiple_of3A_853 : i32 to index
      %swap3A_859 = tpu.vector_load %arg5[%swap3A_856, %swap3A_857, %swap3A_858] {strides = array<i32>} : memref<1x26x1000xf32, #tpu.memory_space<vmem>>, vector<1x1x16xf32>,
      %swap3A_860 = vector.shape_cast %swap3A_859 : vector<1x1x16xf32> to vector<16xf32>
      %swap3A_861 = vector.shape_cast %broadcast_in_dim3A_3 : vector<16xf32> to vector<1x1x16xf32>
      tpu.vector_store %arg5[%swap3A_856, %swap3A_857, %swap3A_858], %swap3A_861 {strides = array<i32>} : memref<1x26x1000xf32, #tpu.memory_space<vmem>>, vector<1x1x16xf32>,
      %slice3A_862 = vector.extract_strided_slice %get3A_23 {offsets = [6], sizes = [1], strides = [1]} : vector<16xi32> to vector<1xi32>
      %squeeze3A_863 = vector.extract %slice3A_862[0] : i32 from vector<1xi32>
      %shift_right_arithmetic3A_864 = arith.constant 4 : i32
      %shift_right_arithmetic3A_865 = arith.shrsi %squeeze3A_863, %shift_right_arithmetic3A_864 : i32
      %shift_left3A_866 = arith.constant 4 : i32
      %shift_left3A_867 = arith.shli %shift_right_arithmetic3A_865, %shift_left3A_866 : i32
      %multiple_of3A_868 = tpu.assume_multiple %shift_left3A_867, 16 : i32
      %swap3A_869 = arith.constant 0 : i32
      %swap3A_870 = arith.constant 6 : i32
      %swap3A_871 = arith.index_cast %swap3A_869 : i32 to index
      %swap3A_872 = arith.index_cast %swap3A_870 : i32 to index
      %swap3A_873 = arith.index_cast %multiple_of3A_868 : i32 to index
      %swap3A_874 = tpu.vector_load %arg5[%swap3A_871, %swap3A_872, %swap3A_873] {strides = array<i32>} : memref<1x26x1000xf32, #tpu.memory_space<vmem>>, vector<1x1x16xf32>,
      %swap3A_875 = vector.shape_cast %swap3A_874 : vector<1x1x16xf32> to vector<16xf32>
      %swap3A_876 = vector.shape_cast %broadcast_in_dim3A_3 : vector<16xf32> to vector<1x1x16xf32>
      tpu.vector_store %arg5[%swap3A_871, %swap3A_872, %swap3A_873], %swap3A_876 {strides = array<i32>} : memref<1x26x1000xf32, #tpu.memory_space<vmem>>, vector<1x1x16xf32>,
      %slice3A_877 = vector.extract_strided_slice %get3A_23 {offsets = [7], sizes = [1], strides = [1]} : vector<16xi32> to vector<1xi32>
      %squeeze3A_878 = vector.extract %slice3A_877[0] : i32 from vector<1xi32>
      %shift_right_arithmetic3A_879 = arith.constant 4 : i32
      %shift_right_arithmetic3A_880 = arith.shrsi %squeeze3A_878, %shift_right_arithmetic3A_879 : i32
      %shift_left3A_881 = arith.constant 4 : i32
      %shift_left3A_882 = arith.shli %shift_right_arithmetic3A_880, %shift_left3A_881 : i32
      %multiple_of3A_883 = tpu.assume_multiple %shift_left3A_882, 16 : i32
      %swap3A_884 = arith.constant 0 : i32
      %swap3A_885 = arith.constant 7 : i32
      %swap3A_886 = arith.index_cast %swap3A_884 : i32 to index
      %swap3A_887 = arith.index_cast %swap3A_885 : i32 to index
      %swap3A_888 = arith.index_cast %multiple_of3A_883 : i32 to index
      %swap3A_889 = tpu.vector_load %arg5[%swap3A_886, %swap3A_887, %swap3A_888] {strides = array<i32>} : memref<1x26x1000xf32, #tpu.memory_space<vmem>>, vector<1x1x16xf32>,
      %swap3A_890 = vector.shape_cast %swap3A_889 : vector<1x1x16xf32> to vector<16xf32>
      %swap3A_891 = vector.shape_cast %broadcast_in_dim3A_3 : vector<16xf32> to vector<1x1x16xf32>
      tpu.vector_store %arg5[%swap3A_886, %swap3A_887, %swap3A_888], %swap3A_891 {strides = array<i32>} : memref<1x26x1000xf32, #tpu.memory_space<vmem>>, vector<1x1x16xf32>,
      %slice3A_892 = vector.extract_strided_slice %get3A_23 {offsets = [8], sizes = [1], strides = [1]} : vector<16xi32> to vector<1xi32>
      %squeeze3A_893 = vector.extract %slice3A_892[0] : i32 from vector<1xi32>
      %shift_right_arithmetic3A_894 = arith.constant 4 : i32
      %shift_right_arithmetic3A_895 = arith.shrsi %squeeze3A_893, %shift_right_arithmetic3A_894 : i32
      %shift_left3A_896 = arith.constant 4 : i32
      %shift_left3A_897 = arith.shli %shift_right_arithmetic3A_895, %shift_left3A_896 : i32
      %multiple_of3A_898 = tpu.assume_multiple %shift_left3A_897, 16 : i32
      %swap3A_899 = arith.constant 0 : i32
      %swap3A_900 = arith.constant 8 : i32
      %swap3A_901 = arith.index_cast %swap3A_899 : i32 to index
      %swap3A_902 = arith.index_cast %swap3A_900 : i32 to index
      %swap3A_903 = arith.index_cast %multiple_of3A_898 : i32 to index
      %swap3A_904 = tpu.vector_load %arg5[%swap3A_901, %swap3A_902, %swap3A_903] {strides = array<i32>} : memref<1x26x1000xf32, #tpu.memory_space<vmem>>, vector<1x1x16xf32>,
      %swap3A_905 = vector.shape_cast %swap3A_904 : vector<1x1x16xf32> to vector<16xf32>
      %swap3A_906 = vector.shape_cast %broadcast_in_dim3A_3 : vector<16xf32> to vector<1x1x16xf32>
      tpu.vector_store %arg5[%swap3A_901, %swap3A_902, %swap3A_903], %swap3A_906 {strides = array<i32>} : memref<1x26x1000xf32, #tpu.memory_space<vmem>>, vector<1x1x16xf32>,
      %slice3A_907 = vector.extract_strided_slice %get3A_23 {offsets = [9], sizes = [1], strides = [1]} : vector<16xi32> to vector<1xi32>
      %squeeze3A_908 = vector.extract %slice3A_907[0] : i32 from vector<1xi32>
      %shift_right_arithmetic3A_909 = arith.constant 4 : i32
      %shift_right_arithmetic3A_910 = arith.shrsi %squeeze3A_908, %shift_right_arithmetic3A_909 : i32
      %shift_left3A_911 = arith.constant 4 : i32
      %shift_left3A_912 = arith.shli %shift_right_arithmetic3A_910, %shift_left3A_911 : i32
      %multiple_of3A_913 = tpu.assume_multiple %shift_left3A_912, 16 : i32
      %swap3A_914 = arith.constant 0 : i32
      %swap3A_915 = arith.constant 9 : i32
      %swap3A_916 = arith.index_cast %swap3A_914 : i32 to index
      %swap3A_917 = arith.index_cast %swap3A_915 : i32 to index
      %swap3A_918 = arith.index_cast %multiple_of3A_913 : i32 to index
      %swap3A_919 = tpu.vector_load %arg5[%swap3A_916, %swap3A_917, %swap3A_918] {strides = array<i32>} : memref<1x26x1000xf32, #tpu.memory_space<vmem>>, vector<1x1x16xf32>,
      %swap3A_920 = vector.shape_cast %swap3A_919 : vector<1x1x16xf32> to vector<16xf32>
      %swap3A_921 = vector.shape_cast %broadcast_in_dim3A_3 : vector<16xf32> to vector<1x1x16xf32>
      tpu.vector_store %arg5[%swap3A_916, %swap3A_917, %swap3A_918], %swap3A_921 {strides = array<i32>} : memref<1x26x1000xf32, #tpu.memory_space<vmem>>, vector<1x1x16xf32>,
      %slice3A_922 = vector.extract_strided_slice %get3A_23 {offsets = [10], sizes = [1], strides = [1]} : vector<16xi32> to vector<1xi32>
      %squeeze3A_923 = vector.extract %slice3A_922[0] : i32 from vector<1xi32>
      %shift_right_arithmetic3A_924 = arith.constant 4 : i32
      %shift_right_arithmetic3A_925 = arith.shrsi %squeeze3A_923, %shift_right_arithmetic3A_924 : i32
      %shift_left3A_926 = arith.constant 4 : i32
      %shift_left3A_927 = arith.shli %shift_right_arithmetic3A_925, %shift_left3A_926 : i32
      %multiple_of3A_928 = tpu.assume_multiple %shift_left3A_927, 16 : i32
      %swap3A_929 = arith.constant 0 : i32
      %swap3A_930 = arith.constant 10 : i32
      %swap3A_931 = arith.index_cast %swap3A_929 : i32 to index
      %swap3A_932 = arith.index_cast %swap3A_930 : i32 to index
      %swap3A_933 = arith.index_cast %multiple_of3A_928 : i32 to index
      %swap3A_934 = tpu.vector_load %arg5[%swap3A_931, %swap3A_932, %swap3A_933] {strides = array<i32>} : memref<1x26x1000xf32, #tpu.memory_space<vmem>>, vector<1x1x16xf32>,
      %swap3A_935 = vector.shape_cast %swap3A_934 : vector<1x1x16xf32> to vector<16xf32>
      %swap3A_936 = vector.shape_cast %broadcast_in_dim3A_3 : vector<16xf32> to vector<1x1x16xf32>
      tpu.vector_store %arg5[%swap3A_931, %swap3A_932, %swap3A_933], %swap3A_936 {strides = array<i32>} : memref<1x26x1000xf32, #tpu.memory_space<vmem>>, vector<1x1x16xf32>,
      %slice3A_937 = vector.extract_strided_slice %get3A_23 {offsets = [11], sizes = [1], strides = [1]} : vector<16xi32> to vector<1xi32>
      %squeeze3A_938 = vector.extract %slice3A_937[0] : i32 from vector<1xi32>
      %shift_right_arithmetic3A_939 = arith.constant 4 : i32
      %shift_right_arithmetic3A_940 = arith.shrsi %squeeze3A_938, %shift_right_arithmetic3A_939 : i32
      %shift_left3A_941 = arith.constant 4 : i32
      %shift_left3A_942 = arith.shli %shift_right_arithmetic3A_940, %shift_left3A_941 : i32
      %multiple_of3A_943 = tpu.assume_multiple %shift_left3A_942, 16 : i32
      %swap3A_944 = arith.constant 0 : i32
      %swap3A_945 = arith.constant 11 : i32
      %swap3A_946 = arith.index_cast %swap3A_944 : i32 to index
      %swap3A_947 = arith.index_cast %swap3A_945 : i32 to index
      %swap3A_948 = arith.index_cast %multiple_of3A_943 : i32 to index
      %swap3A_949 = tpu.vector_load %arg5[%swap3A_946, %swap3A_947, %swap3A_948] {strides = array<i32>} : memref<1x26x1000xf32, #tpu.memory_space<vmem>>, vector<1x1x16xf32>,
      %swap3A_950 = vector.shape_cast %swap3A_949 : vector<1x1x16xf32> to vector<16xf32>
      %swap3A_951 = vector.shape_cast %broadcast_in_dim3A_3 : vector<16xf32> to vector<1x1x16xf32>
      tpu.vector_store %arg5[%swap3A_946, %swap3A_947, %swap3A_948], %swap3A_951 {strides = array<i32>} : memref<1x26x1000xf32, #tpu.memory_space<vmem>>, vector<1x1x16xf32>,
      %slice3A_952 = vector.extract_strided_slice %get3A_23 {offsets = [12], sizes = [1], strides = [1]} : vector<16xi32> to vector<1xi32>
      %squeeze3A_953 = vector.extract %slice3A_952[0] : i32 from vector<1xi32>
      %shift_right_arithmetic3A_954 = arith.constant 4 : i32
      %shift_right_arithmetic3A_955 = arith.shrsi %squeeze3A_953, %shift_right_arithmetic3A_954 : i32
      %shift_left3A_956 = arith.constant 4 : i32
      %shift_left3A_957 = arith.shli %shift_right_arithmetic3A_955, %shift_left3A_956 : i32
      %multiple_of3A_958 = tpu.assume_multiple %shift_left3A_957, 16 : i32
      %swap3A_959 = arith.constant 0 : i32
      %swap3A_960 = arith.constant 12 : i32
      %swap3A_961 = arith.index_cast %swap3A_959 : i32 to index
      %swap3A_962 = arith.index_cast %swap3A_960 : i32 to index
      %swap3A_963 = arith.index_cast %multiple_of3A_958 : i32 to index
      %swap3A_964 = tpu.vector_load %arg5[%swap3A_961, %swap3A_962, %swap3A_963] {strides = array<i32>} : memref<1x26x1000xf32, #tpu.memory_space<vmem>>, vector<1x1x16xf32>,
      %swap3A_965 = vector.shape_cast %swap3A_964 : vector<1x1x16xf32> to vector<16xf32>
      %swap3A_966 = vector.shape_cast %broadcast_in_dim3A_3 : vector<16xf32> to vector<1x1x16xf32>
      tpu.vector_store %arg5[%swap3A_961, %swap3A_962, %swap3A_963], %swap3A_966 {strides = array<i32>} : memref<1x26x1000xf32, #tpu.memory_space<vmem>>, vector<1x1x16xf32>,
      %slice3A_967 = vector.extract_strided_slice %get3A_23 {offsets = [13], sizes = [1], strides = [1]} : vector<16xi32> to vector<1xi32>
      %squeeze3A_968 = vector.extract %slice3A_967[0] : i32 from vector<1xi32>
      %shift_right_arithmetic3A_969 = arith.constant 4 : i32
      %shift_right_arithmetic3A_970 = arith.shrsi %squeeze3A_968, %shift_right_arithmetic3A_969 : i32
      %shift_left3A_971 = arith.constant 4 : i32
      %shift_left3A_972 = arith.shli %shift_right_arithmetic3A_970, %shift_left3A_971 : i32
      %multiple_of3A_973 = tpu.assume_multiple %shift_left3A_972, 16 : i32
      %swap3A_974 = arith.constant 0 : i32
      %swap3A_975 = arith.constant 13 : i32
      %swap3A_976 = arith.index_cast %swap3A_974 : i32 to index
      %swap3A_977 = arith.index_cast %swap3A_975 : i32 to index
      %swap3A_978 = arith.index_cast %multiple_of3A_973 : i32 to index
      %swap3A_979 = tpu.vector_load %arg5[%swap3A_976, %swap3A_977, %swap3A_978] {strides = array<i32>} : memref<1x26x1000xf32, #tpu.memory_space<vmem>>, vector<1x1x16xf32>,
      %swap3A_980 = vector.shape_cast %swap3A_979 : vector<1x1x16xf32> to vector<16xf32>
      %swap3A_981 = vector.shape_cast %broadcast_in_dim3A_3 : vector<16xf32> to vector<1x1x16xf32>
      tpu.vector_store %arg5[%swap3A_976, %swap3A_977, %swap3A_978], %swap3A_981 {strides = array<i32>} : memref<1x26x1000xf32, #tpu.memory_space<vmem>>, vector<1x1x16xf32>,
      %slice3A_982 = vector.extract_strided_slice %get3A_23 {offsets = [14], sizes = [1], strides = [1]} : vector<16xi32> to vector<1xi32>
      %squeeze3A_983 = vector.extract %slice3A_982[0] : i32 from vector<1xi32>
      %shift_right_arithmetic3A_984 = arith.constant 4 : i32
      %shift_right_arithmetic3A_985 = arith.shrsi %squeeze3A_983, %shift_right_arithmetic3A_984 : i32
      %shift_left3A_986 = arith.constant 4 : i32
      %shift_left3A_987 = arith.shli %shift_right_arithmetic3A_985, %shift_left3A_986 : i32
      %multiple_of3A_988 = tpu.assume_multiple %shift_left3A_987, 16 : i32
      %swap3A_989 = arith.constant 0 : i32
      %swap3A_990 = arith.constant 14 : i32
      %swap3A_991 = arith.index_cast %swap3A_989 : i32 to index
      %swap3A_992 = arith.index_cast %swap3A_990 : i32 to index
      %swap3A_993 = arith.index_cast %multiple_of3A_988 : i32 to index
      %swap3A_994 = tpu.vector_load %arg5[%swap3A_991, %swap3A_992, %swap3A_993] {strides = array<i32>} : memref<1x26x1000xf32, #tpu.memory_space<vmem>>, vector<1x1x16xf32>,
      %swap3A_995 = vector.shape_cast %swap3A_994 : vector<1x1x16xf32> to vector<16xf32>
      %swap3A_996 = vector.shape_cast %broadcast_in_dim3A_3 : vector<16xf32> to vector<1x1x16xf32>
      tpu.vector_store %arg5[%swap3A_991, %swap3A_992, %swap3A_993], %swap3A_996 {strides = array<i32>} : memref<1x26x1000xf32, #tpu.memory_space<vmem>>, vector<1x1x16xf32>,
      %slice3A_997 = vector.extract_strided_slice %get3A_23 {offsets = [15], sizes = [1], strides = [1]} : vector<16xi32> to vector<1xi32>
      %squeeze3A_998 = vector.extract %slice3A_997[0] : i32 from vector<1xi32>
      %shift_right_arithmetic3A_999 = arith.constant 4 : i32
      %shift_right_arithmetic3A_1000 = arith.shrsi %squeeze3A_998, %shift_right_arithmetic3A_999 : i32
      %shift_left3A_1001 = arith.constant 4 : i32
      %shift_left3A_1002 = arith.shli %shift_right_arithmetic3A_1000, %shift_left3A_1001 : i32
      %multiple_of3A_1003 = tpu.assume_multiple %shift_left3A_1002, 16 : i32
      %swap3A_1004 = arith.constant 0 : i32
      %swap3A_1005 = arith.constant 15 : i32
      %swap3A_1006 = arith.index_cast %swap3A_1004 : i32 to index
      %swap3A_1007 = arith.index_cast %swap3A_1005 : i32 to index
      %swap3A_1008 = arith.index_cast %multiple_of3A_1003 : i32 to index
      %swap3A_1009 = tpu.vector_load %arg5[%swap3A_1006, %swap3A_1007, %swap3A_1008] {strides = array<i32>} : memref<1x26x1000xf32, #tpu.memory_space<vmem>>, vector<1x1x16xf32>,
      %swap3A_1010 = vector.shape_cast %swap3A_1009 : vector<1x1x16xf32> to vector<16xf32>
      %swap3A_1011 = vector.shape_cast %broadcast_in_dim3A_3 : vector<16xf32> to vector<1x1x16xf32>
      tpu.vector_store %arg5[%swap3A_1006, %swap3A_1007, %swap3A_1008], %swap3A_1011 {strides = array<i32>} : memref<1x26x1000xf32, #tpu.memory_space<vmem>>, vector<1x1x16xf32>,
      %slice3A_1012 = vector.extract_strided_slice %get3A_26 {offsets = [0], sizes = [1], strides = [1]} : vector<16xi32> to vector<1xi32>
      %squeeze3A_1013 = vector.extract %slice3A_1012[0] : i32 from vector<1xi32>
      %shift_right_arithmetic3A_1014 = arith.constant 4 : i32
      %shift_right_arithmetic3A_1015 = arith.shrsi %squeeze3A_1013, %shift_right_arithmetic3A_1014 : i32
      %shift_left3A_1016 = arith.constant 4 : i32
      %shift_left3A_1017 = arith.shli %shift_right_arithmetic3A_1015, %shift_left3A_1016 : i32
      %multiple_of3A_1018 = tpu.assume_multiple %shift_left3A_1017, 16 : i32
      %swap3A_1019 = arith.constant 0 : i32
      %swap3A_1020 = arith.constant 16 : i32
      %swap3A_1021 = arith.index_cast %swap3A_1019 : i32 to index
      %swap3A_1022 = arith.index_cast %swap3A_1020 : i32 to index
      %swap3A_1023 = arith.index_cast %multiple_of3A_1018 : i32 to index
      %swap3A_1024 = tpu.vector_load %arg5[%swap3A_1021, %swap3A_1022, %swap3A_1023] {strides = array<i32>} : memref<1x26x1000xf32, #tpu.memory_space<vmem>>, vector<1x1x16xf32>,
      %swap3A_1025 = vector.shape_cast %swap3A_1024 : vector<1x1x16xf32> to vector<16xf32>
      %swap3A_1026 = vector.shape_cast %broadcast_in_dim3A_3 : vector<16xf32> to vector<1x1x16xf32>
      tpu.vector_store %arg5[%swap3A_1021, %swap3A_1022, %swap3A_1023], %swap3A_1026 {strides = array<i32>} : memref<1x26x1000xf32, #tpu.memory_space<vmem>>, vector<1x1x16xf32>,
      %slice3A_1027 = vector.extract_strided_slice %get3A_26 {offsets = [1], sizes = [1], strides = [1]} : vector<16xi32> to vector<1xi32>
      %squeeze3A_1028 = vector.extract %slice3A_1027[0] : i32 from vector<1xi32>
      %shift_right_arithmetic3A_1029 = arith.constant 4 : i32
      %shift_right_arithmetic3A_1030 = arith.shrsi %squeeze3A_1028, %shift_right_arithmetic3A_1029 : i32
      %shift_left3A_1031 = arith.constant 4 : i32
      %shift_left3A_1032 = arith.shli %shift_right_arithmetic3A_1030, %shift_left3A_1031 : i32
      %multiple_of3A_1033 = tpu.assume_multiple %shift_left3A_1032, 16 : i32
      %swap3A_1034 = arith.constant 0 : i32
      %swap3A_1035 = arith.constant 17 : i32
      %swap3A_1036 = arith.index_cast %swap3A_1034 : i32 to index
      %swap3A_1037 = arith.index_cast %swap3A_1035 : i32 to index
      %swap3A_1038 = arith.index_cast %multiple_of3A_1033 : i32 to index
      %swap3A_1039 = tpu.vector_load %arg5[%swap3A_1036, %swap3A_1037, %swap3A_1038] {strides = array<i32>} : memref<1x26x1000xf32, #tpu.memory_space<vmem>>, vector<1x1x16xf32>,
      %swap3A_1040 = vector.shape_cast %swap3A_1039 : vector<1x1x16xf32> to vector<16xf32>
      %swap3A_1041 = vector.shape_cast %broadcast_in_dim3A_3 : vector<16xf32> to vector<1x1x16xf32>
      tpu.vector_store %arg5[%swap3A_1036, %swap3A_1037, %swap3A_1038], %swap3A_1041 {strides = array<i32>} : memref<1x26x1000xf32, #tpu.memory_space<vmem>>, vector<1x1x16xf32>,
      %slice3A_1042 = vector.extract_strided_slice %get3A_26 {offsets = [2], sizes = [1], strides = [1]} : vector<16xi32> to vector<1xi32>
      %squeeze3A_1043 = vector.extract %slice3A_1042[0] : i32 from vector<1xi32>
      %shift_right_arithmetic3A_1044 = arith.constant 4 : i32
      %shift_right_arithmetic3A_1045 = arith.shrsi %squeeze3A_1043, %shift_right_arithmetic3A_1044 : i32
      %shift_left3A_1046 = arith.constant 4 : i32
      %shift_left3A_1047 = arith.shli %shift_right_arithmetic3A_1045, %shift_left3A_1046 : i32
      %multiple_of3A_1048 = tpu.assume_multiple %shift_left3A_1047, 16 : i32
      %swap3A_1049 = arith.constant 0 : i32
      %swap3A_1050 = arith.constant 18 : i32
      %swap3A_1051 = arith.index_cast %swap3A_1049 : i32 to index
      %swap3A_1052 = arith.index_cast %swap3A_1050 : i32 to index
      %swap3A_1053 = arith.index_cast %multiple_of3A_1048 : i32 to index
      %swap3A_1054 = tpu.vector_load %arg5[%swap3A_1051, %swap3A_1052, %swap3A_1053] {strides = array<i32>} : memref<1x26x1000xf32, #tpu.memory_space<vmem>>, vector<1x1x16xf32>,
      %swap3A_1055 = vector.shape_cast %swap3A_1054 : vector<1x1x16xf32> to vector<16xf32>
      %swap3A_1056 = vector.shape_cast %broadcast_in_dim3A_3 : vector<16xf32> to vector<1x1x16xf32>
      tpu.vector_store %arg5[%swap3A_1051, %swap3A_1052, %swap3A_1053], %swap3A_1056 {strides = array<i32>} : memref<1x26x1000xf32, #tpu.memory_space<vmem>>, vector<1x1x16xf32>,
      %slice3A_1057 = vector.extract_strided_slice %get3A_26 {offsets = [3], sizes = [1], strides = [1]} : vector<16xi32> to vector<1xi32>
      %squeeze3A_1058 = vector.extract %slice3A_1057[0] : i32 from vector<1xi32>
      %shift_right_arithmetic3A_1059 = arith.constant 4 : i32
      %shift_right_arithmetic3A_1060 = arith.shrsi %squeeze3A_1058, %shift_right_arithmetic3A_1059 : i32
      %shift_left3A_1061 = arith.constant 4 : i32
      %shift_left3A_1062 = arith.shli %shift_right_arithmetic3A_1060, %shift_left3A_1061 : i32
      %multiple_of3A_1063 = tpu.assume_multiple %shift_left3A_1062, 16 : i32
      %swap3A_1064 = arith.constant 0 : i32
      %swap3A_1065 = arith.constant 19 : i32
      %swap3A_1066 = arith.index_cast %swap3A_1064 : i32 to index
      %swap3A_1067 = arith.index_cast %swap3A_1065 : i32 to index
      %swap3A_1068 = arith.index_cast %multiple_of3A_1063 : i32 to index
      %swap3A_1069 = tpu.vector_load %arg5[%swap3A_1066, %swap3A_1067, %swap3A_1068] {strides = array<i32>} : memref<1x26x1000xf32, #tpu.memory_space<vmem>>, vector<1x1x16xf32>,
      %swap3A_1070 = vector.shape_cast %swap3A_1069 : vector<1x1x16xf32> to vector<16xf32>
      %swap3A_1071 = vector.shape_cast %broadcast_in_dim3A_3 : vector<16xf32> to vector<1x1x16xf32>
      tpu.vector_store %arg5[%swap3A_1066, %swap3A_1067, %swap3A_1068], %swap3A_1071 {strides = array<i32>} : memref<1x26x1000xf32, #tpu.memory_space<vmem>>, vector<1x1x16xf32>,
      %slice3A_1072 = vector.extract_strided_slice %get3A_26 {offsets = [4], sizes = [1], strides = [1]} : vector<16xi32> to vector<1xi32>
      %squeeze3A_1073 = vector.extract %slice3A_1072[0] : i32 from vector<1xi32>
      %shift_right_arithmetic3A_1074 = arith.constant 4 : i32
      %shift_right_arithmetic3A_1075 = arith.shrsi %squeeze3A_1073, %shift_right_arithmetic3A_1074 : i32
      %shift_left3A_1076 = arith.constant 4 : i32
      %shift_left3A_1077 = arith.shli %shift_right_arithmetic3A_1075, %shift_left3A_1076 : i32
      %multiple_of3A_1078 = tpu.assume_multiple %shift_left3A_1077, 16 : i32
      %swap3A_1079 = arith.constant 0 : i32
      %swap3A_1080 = arith.constant 20 : i32
      %swap3A_1081 = arith.index_cast %swap3A_1079 : i32 to index
      %swap3A_1082 = arith.index_cast %swap3A_1080 : i32 to index
      %swap3A_1083 = arith.index_cast %multiple_of3A_1078 : i32 to index
      %swap3A_1084 = tpu.vector_load %arg5[%swap3A_1081, %swap3A_1082, %swap3A_1083] {strides = array<i32>} : memref<1x26x1000xf32, #tpu.memory_space<vmem>>, vector<1x1x16xf32>,
      %swap3A_1085 = vector.shape_cast %swap3A_1084 : vector<1x1x16xf32> to vector<16xf32>
      %swap3A_1086 = vector.shape_cast %broadcast_in_dim3A_3 : vector<16xf32> to vector<1x1x16xf32>
      tpu.vector_store %arg5[%swap3A_1081, %swap3A_1082, %swap3A_1083], %swap3A_1086 {strides = array<i32>} : memref<1x26x1000xf32, #tpu.memory_space<vmem>>, vector<1x1x16xf32>,
      %slice3A_1087 = vector.extract_strided_slice %get3A_26 {offsets = [5], sizes = [1], strides = [1]} : vector<16xi32> to vector<1xi32>
      %squeeze3A_1088 = vector.extract %slice3A_1087[0] : i32 from vector<1xi32>
      %shift_right_arithmetic3A_1089 = arith.constant 4 : i32
      %shift_right_arithmetic3A_1090 = arith.shrsi %squeeze3A_1088, %shift_right_arithmetic3A_1089 : i32
      %shift_left3A_1091 = arith.constant 4 : i32
      %shift_left3A_1092 = arith.shli %shift_right_arithmetic3A_1090, %shift_left3A_1091 : i32
      %multiple_of3A_1093 = tpu.assume_multiple %shift_left3A_1092, 16 : i32
      %swap3A_1094 = arith.constant 0 : i32
      %swap3A_1095 = arith.constant 21 : i32
      %swap3A_1096 = arith.index_cast %swap3A_1094 : i32 to index
      %swap3A_1097 = arith.index_cast %swap3A_1095 : i32 to index
      %swap3A_1098 = arith.index_cast %multiple_of3A_1093 : i32 to index
      %swap3A_1099 = tpu.vector_load %arg5[%swap3A_1096, %swap3A_1097, %swap3A_1098] {strides = array<i32>} : memref<1x26x1000xf32, #tpu.memory_space<vmem>>, vector<1x1x16xf32>,
      %swap3A_1100 = vector.shape_cast %swap3A_1099 : vector<1x1x16xf32> to vector<16xf32>
      %swap3A_1101 = vector.shape_cast %broadcast_in_dim3A_3 : vector<16xf32> to vector<1x1x16xf32>
      tpu.vector_store %arg5[%swap3A_1096, %swap3A_1097, %swap3A_1098], %swap3A_1101 {strides = array<i32>} : memref<1x26x1000xf32, #tpu.memory_space<vmem>>, vector<1x1x16xf32>,
      %slice3A_1102 = vector.extract_strided_slice %get3A_26 {offsets = [6], sizes = [1], strides = [1]} : vector<16xi32> to vector<1xi32>
      %squeeze3A_1103 = vector.extract %slice3A_1102[0] : i32 from vector<1xi32>
      %shift_right_arithmetic3A_1104 = arith.constant 4 : i32
      %shift_right_arithmetic3A_1105 = arith.shrsi %squeeze3A_1103, %shift_right_arithmetic3A_1104 : i32
      %shift_left3A_1106 = arith.constant 4 : i32
      %shift_left3A_1107 = arith.shli %shift_right_arithmetic3A_1105, %shift_left3A_1106 : i32
      %multiple_of3A_1108 = tpu.assume_multiple %shift_left3A_1107, 16 : i32
      %swap3A_1109 = arith.constant 0 : i32
      %swap3A_1110 = arith.constant 22 : i32
      %swap3A_1111 = arith.index_cast %swap3A_1109 : i32 to index
      %swap3A_1112 = arith.index_cast %swap3A_1110 : i32 to index
      %swap3A_1113 = arith.index_cast %multiple_of3A_1108 : i32 to index
      %swap3A_1114 = tpu.vector_load %arg5[%swap3A_1111, %swap3A_1112, %swap3A_1113] {strides = array<i32>} : memref<1x26x1000xf32, #tpu.memory_space<vmem>>, vector<1x1x16xf32>,
      %swap3A_1115 = vector.shape_cast %swap3A_1114 : vector<1x1x16xf32> to vector<16xf32>
      %swap3A_1116 = vector.shape_cast %broadcast_in_dim3A_3 : vector<16xf32> to vector<1x1x16xf32>
      tpu.vector_store %arg5[%swap3A_1111, %swap3A_1112, %swap3A_1113], %swap3A_1116 {strides = array<i32>} : memref<1x26x1000xf32, #tpu.memory_space<vmem>>, vector<1x1x16xf32>,
      %slice3A_1117 = vector.extract_strided_slice %get3A_26 {offsets = [7], sizes = [1], strides = [1]} : vector<16xi32> to vector<1xi32>
      %squeeze3A_1118 = vector.extract %slice3A_1117[0] : i32 from vector<1xi32>
      %shift_right_arithmetic3A_1119 = arith.constant 4 : i32
      %shift_right_arithmetic3A_1120 = arith.shrsi %squeeze3A_1118, %shift_right_arithmetic3A_1119 : i32
      %shift_left3A_1121 = arith.constant 4 : i32
      %shift_left3A_1122 = arith.shli %shift_right_arithmetic3A_1120, %shift_left3A_1121 : i32
      %multiple_of3A_1123 = tpu.assume_multiple %shift_left3A_1122, 16 : i32
      %swap3A_1124 = arith.constant 0 : i32
      %swap3A_1125 = arith.constant 23 : i32
      %swap3A_1126 = arith.index_cast %swap3A_1124 : i32 to index
      %swap3A_1127 = arith.index_cast %swap3A_1125 : i32 to index
      %swap3A_1128 = arith.index_cast %multiple_of3A_1123 : i32 to index
      %swap3A_1129 = tpu.vector_load %arg5[%swap3A_1126, %swap3A_1127, %swap3A_1128] {strides = array<i32>} : memref<1x26x1000xf32, #tpu.memory_space<vmem>>, vector<1x1x16xf32>,
      %swap3A_1130 = vector.shape_cast %swap3A_1129 : vector<1x1x16xf32> to vector<16xf32>
      %swap3A_1131 = vector.shape_cast %broadcast_in_dim3A_3 : vector<16xf32> to vector<1x1x16xf32>
      tpu.vector_store %arg5[%swap3A_1126, %swap3A_1127, %swap3A_1128], %swap3A_1131 {strides = array<i32>} : memref<1x26x1000xf32, #tpu.memory_space<vmem>>, vector<1x1x16xf32>,
      %slice3A_1132 = vector.extract_strided_slice %get3A_26 {offsets = [8], sizes = [1], strides = [1]} : vector<16xi32> to vector<1xi32>
      %squeeze3A_1133 = vector.extract %slice3A_1132[0] : i32 from vector<1xi32>
      %shift_right_arithmetic3A_1134 = arith.constant 4 : i32
      %shift_right_arithmetic3A_1135 = arith.shrsi %squeeze3A_1133, %shift_right_arithmetic3A_1134 : i32
      %shift_left3A_1136 = arith.constant 4 : i32
      %shift_left3A_1137 = arith.shli %shift_right_arithmetic3A_1135, %shift_left3A_1136 : i32
      %multiple_of3A_1138 = tpu.assume_multiple %shift_left3A_1137, 16 : i32
      %swap3A_1139 = arith.constant 0 : i32
      %swap3A_1140 = arith.constant 24 : i32
      %swap3A_1141 = arith.index_cast %swap3A_1139 : i32 to index
      %swap3A_1142 = arith.index_cast %swap3A_1140 : i32 to index
      %swap3A_1143 = arith.index_cast %multiple_of3A_1138 : i32 to index
      %swap3A_1144 = tpu.vector_load %arg5[%swap3A_1141, %swap3A_1142, %swap3A_1143] {strides = array<i32>} : memref<1x26x1000xf32, #tpu.memory_space<vmem>>, vector<1x1x16xf32>,
      %swap3A_1145 = vector.shape_cast %swap3A_1144 : vector<1x1x16xf32> to vector<16xf32>
      %swap3A_1146 = vector.shape_cast %broadcast_in_dim3A_3 : vector<16xf32> to vector<1x1x16xf32>
      tpu.vector_store %arg5[%swap3A_1141, %swap3A_1142, %swap3A_1143], %swap3A_1146 {strides = array<i32>} : memref<1x26x1000xf32, #tpu.memory_space<vmem>>, vector<1x1x16xf32>,
      %slice3A_1147 = vector.extract_strided_slice %get3A_26 {offsets = [9], sizes = [1], strides = [1]} : vector<16xi32> to vector<1xi32>
      %squeeze3A_1148 = vector.extract %slice3A_1147[0] : i32 from vector<1xi32>
      %shift_right_arithmetic3A_1149 = arith.constant 4 : i32
      %shift_right_arithmetic3A_1150 = arith.shrsi %squeeze3A_1148, %shift_right_arithmetic3A_1149 : i32
      %shift_left3A_1151 = arith.constant 4 : i32
      %shift_left3A_1152 = arith.shli %shift_right_arithmetic3A_1150, %shift_left3A_1151 : i32
      %multiple_of3A_1153 = tpu.assume_multiple %shift_left3A_1152, 16 : i32
      %swap3A_1154 = arith.constant 0 : i32
      %swap3A_1155 = arith.constant 25 : i32
      %swap3A_1156 = arith.index_cast %swap3A_1154 : i32 to index
      %swap3A_1157 = arith.index_cast %swap3A_1155 : i32 to index
      %swap3A_1158 = arith.index_cast %multiple_of3A_1153 : i32 to index
      %swap3A_1159 = tpu.vector_load %arg5[%swap3A_1156, %swap3A_1157, %swap3A_1158] {strides = array<i32>} : memref<1x26x1000xf32, #tpu.memory_space<vmem>>, vector<1x1x16xf32>,
      %swap3A_1160 = vector.shape_cast %swap3A_1159 : vector<1x1x16xf32> to vector<16xf32>
      %swap3A_1161 = vector.shape_cast %broadcast_in_dim3A_3 : vector<16xf32> to vector<1x1x16xf32>
      tpu.vector_store %arg5[%swap3A_1156, %swap3A_1157, %swap3A_1158], %swap3A_1161 {strides = array<i32>} : memref<1x26x1000xf32, #tpu.memory_space<vmem>>, vector<1x1x16xf32>,
      %scan3A_1162 = arith.constant 0 : i32
      scf.yield %scan3A_1162 : i32
    }
    %scan3A_16 = arith.constant 128 : i32
    return
  }
}

</mosaic_0001>

<sc_bundles>
// kernel: kernel.3.cloned.1.call-start
scs
__scs_entry_jumppad:
0x0: {  	(pc) =	sbr.rel $0x88, $3  }
0x1: {  	(tag) =	ssettag $0x0;
	lr =	simm.s32 $0x1  }
0x2: {  	[smem:$0x3FA0] =	sst lr;
	_ =	strace $0xD0000000  }
0x3: {  	_ = 	snop  }
0x4: {  	_ = 	snop  }
0x5: {  	_ = 	snop  }
0x6: {  	_ = 	snop  }
0x7: {  	_ = 	snop  }
__scs_overlays_trampoline_lowered:
0x8: {  	[smem:$0x3FAF] =	sst s0  }
0x9: {  	[smem:$0x3FB0] =	sst s1  }
0xa: {  	[smem:$0x3FB1] =	sst s2  }
0xb: {  	[smem:$0x3FB2] =	sst s3  }
0xc: {  	[smem:$0x3FB3] =	sst s4  }
0xd: {  	[smem:$0x3FB4] =	sst s5  }
0xe: {  	[smem:$0x3FB5] =	sst s6  }
0xf: {  	[smem:$0x3FB6] =	sst s7  }
0x10: {  	[smem:$0x3FB7] =	sst s8  }
0x11: {  	[smem:$0x3FB8] =	sst s9;
	s0 =	simm.s32 @!p0 $0x0  }
0x12: {  	s1 =	sld [smem:$0x3F9E];
	s0 =	simm.s32 @p0 $0x1  }
0x13: {  	[smem:$0x3FB9] =	sst s0;
	s0 =	simm.s32 @!p1 $0x0  }
0x14: {  	s2 =	sld [smem:$0x3F9D];
	s0 =	simm.s32 @p1 $0x1  }
0x15: {  	[smem:$0x3FBA] =	sst s0;
	s0 =	simm.s32 @!p2 $0x0  }
0x16: {  	s3 =	sld [smem:$0x3FDB];
	s0 =	simm.s32 @p2 $0x1  }
0x17: {  	s4 =	simm.s32 $0x1BF5;
	[smem:$0x3FBC] =	sst s0  }
0x18: {  	s0 =	sld [smem:$0x3F9F];
	_ =	swait.ge [sflag:s4], $0x0  }
0x19: {  	s7 =	sld [smem:$0x3FA0]  }
0x1a: {  	s8 =	sadd.s32 $0xFFFFE003, lr  }
0x1b: {  	s9 =	sadd.s32 $0xFFFFFEF7, lr;
	s5 =	simm.s32 $0xFFFFFFFF;
	p2 =	slt.u32 s8, $0xFFFFF086  }
0x1c: {  	p1 =	slt.u32 s9, $0xF7A;
	s5 =	simm.s32 @!p2 $0x0  }
0x1d: {  	s5 =	simm.s32 @p1 $0x1;
	p0 =	seq.s32 s7, s2  }
0x1e: {  	s7 =	smul.u32 @!p0 $0xF7A, s2;
	p2 =	seq.s32 @!p0 s5, $0x0  }
0x1f: {  	s9 =	smul.u32 $0xF7A, s1;
	s8 =	simm.s32 @!p0 $0x1BF5;
	p2 =	por !p2, p0  }
0x20: {  	[sflag:s8] =	ssyncset.s32 @!p0 $0xFFFFF086;
	s6 =	sadd.s32 @!p0 s3, s7;
	s7 =	simm.s32 @!p0 $0x108  }
0x21: {  	s3 =	sadd.s32 s3, s9;
	s6 =	sadd.s32 @!p0 $0x88, s6;
	s7 =	simm.s32 @p2 $0x1082  }
0x22: {  	[simem:s7], [sflag:s8] =	dma.local @!p0 [hbm:s6], $0xF7A  }
0x23: {  	s9 =	sor.u32 $0xD0000000, s2;
	s6 =	simm.s32 $0x108;
	_ =	swait.ge @!p0 [sflag:s8], $0x0  }
0x24: {  	s3 =	sadd.s32 $0x88, s3;
	s6 =	simm.s32 @!p1 $0x1082;
	[sflag:s4] =	ssyncset.s32 $0xFFFFF086  }
0x25: {  	[simem:s6], [sflag:s4] =	dma.local [hbm:s3], $0xF7A  }
0x26: {  	[smem:$0x3FA0] =	sst s1;
	(tag) =	ssettag s2;
	_ =	strace s9  }
0x27: {  	s1 =	sld [smem:$0x3FB0]  }
0x28: {  	s2 =	sld [smem:$0x3FB1]  }
0x29: {  	s4 =	sld [smem:$0x3FB3]  }
0x2a: {  	p0 =	seq.s32 s5, $0x0;
	s5 =	sld [smem:$0x3FB4]  }
0x2b: {  	s6 =	sld [smem:$0x3FB5]  }
0x2c: {  	s7 =	sld [smem:$0x3FB6]  }
0x2d: {  	s3 =	simm.s32 $0x108;
	s8 =	sld [smem:$0x3FB7]  }
0x2e: {  	s3 =	simm.s32 @!p0 $0x1082;
	s9 =	sld [smem:$0x3FB8]  }
0x2f: {  	lr =	sadd.s32 s0, s3;
	s0 =	sld [smem:$0x3FAF]  }
0x30: {  	s3 =	sld [smem:$0x3FB2]  }
0x31: {  	[smem:$0x3FBB] =	sst s10  }
0x32: {  	s10 =	sld [smem:$0x3FB9];
	_ =	sdelay $0x3  }
0x33: {  	p0 =	seq.s32 s10, $0x1;
	s10 =	sld [smem:$0x3FBB];
	_ =	sdelay $0x3  }
0x34: {  	[smem:$0x3FBB] =	sst s10  }
0x35: {  	s10 =	sld [smem:$0x3FBA];
	_ =	sdelay $0x3  }
0x36: {  	p1 =	seq.s32 s10, $0x1;
	s10 =	sld [smem:$0x3FBB];
	_ =	sdelay $0x3  }
0x37: {  	[smem:$0x3FBB] =	sst s10  }
0x38: {  	s10 =	sld [smem:$0x3FBC]  }
0x39: {  	_ = 	snop;
	(pc) =	sbr.ind lr, $3  }
0x3a: {  	_ = 	snop  }
0x3b: {  	_ = 	snop  }
0x3c: {  	p2 =	seq.s32 s10, $0x1;
	s10 =	sld [smem:$0x3FBB]  }
0x3d: {  	_ =	shalt  }
0x3e: {  	_ =	shalt  }
0x3f: {  	_ =	shalt  }
0x40: {  	_ =	shalt  }
0x41: {  	_ =	shalt  }
0x42: {  	_ =	shalt  }
0x43: {  	_ =	shalt  }
0x44: {  	_ =	shalt  }
0x45: {  	_ =	shalt  }
0x46: {  	_ =	shalt  }
0x47: {  	_ =	shalt  }
0x48: {  	_ =	shalt  }
0x49: {  	_ =	shalt  }
0x4a: {  	_ =	shalt  }
0x4b: {  	_ =	shalt  }
0x4c: {  	_ =	shalt  }
0x4d: {  	_ =	shalt  }
0x4e: {  	_ =	shalt  }
0x4f: {  	_ =	shalt  }
0x50: {  	_ =	shalt  }
0x51: {  	_ =	shalt  }
0x52: {  	_ =	shalt  }
0x53: {  	_ =	shalt  }
0x54: {  	_ =	shalt  }
0x55: {  	_ =	shalt  }
0x56: {  	_ =	shalt  }
0x57: {  	_ =	shalt  }
0x58: {  	_ =	shalt  }
0x59: {  	_ =	shalt  }
0x5a: {  	_ =	shalt  }
0x5b: {  	_ =	shalt  }
0x5c: {  	_ =	shalt  }
0x5d: {  	_ =	shalt  }
0x5e: {  	_ =	shalt  }
0x5f: {  	_ =	shalt  }
0x60: {  	_ =	shalt  }
0x61: {  	_ =	shalt  }
0x62: {  	_ =	shalt  }
0x63: {  	_ =	shalt  }
0x64: {  	_ =	shalt  }
0x65: {  	_ =	shalt  }
0x66: {  	_ =	shalt  }
0x67: {  	_ =	shalt  }
0x68: {  	_ =	shalt  }
0x69: {  	_ =	shalt  }
0x6a: {  	_ =	shalt  }
0x6b: {  	_ =	shalt  }
0x6c: {  	_ =	shalt  }
0x6d: {  	_ =	shalt  }
0x6e: {  	_ =	shalt  }
0x6f: {  	_ =	shalt  }
0x70: {  	_ =	shalt  }
0x71: {  	_ =	shalt  }
0x72: {  	_ =	shalt  }
0x73: {  	_ =	shalt  }
0x74: {  	_ =	shalt  }
0x75: {  	_ =	shalt  }
0x76: {  	_ =	shalt  }
0x77: {  	_ =	shalt  }
0x78: {  	_ =	shalt  }
0x79: {  	_ =	shalt  }
0x7a: {  	_ =	shalt  }
0x7b: {  	_ =	shalt  }
0x7c: {  	_ =	shalt  }
0x7d: {  	_ =	shalt  }
0x7e: {  	_ =	shalt  }
0x7f: {  	_ =	shalt  }
0x80: {  	_ =	shalt  }
0x81: {  	_ =	shalt  }
0x82: {  	_ =	shalt  }
0x83: {  	_ =	shalt  }
0x84: {  	_ =	shalt  }
0x85: {  	_ =	shalt  }
0x86: {  	_ =	shalt  }
0x87: {  	_ =	shalt  }
.Lfunc_end0:
.L_simem_size_0:
called_computation_lowered:
.L_overlay_start_0:
0x88: {  	s2 =	sld [smem:$0x3FD9]  }
0x89: {  	s3 =	sld [smem:$0x3FFE];
	_ =	sdelay $0x1  }
0x8a: {  	s1 =	srdreg.scid  }
0x8b: {  	s0 =	sand.u32 $0x1, s1  }
0x8c: {  	s17 =	sshll.u32 s0, $0xA;
	s2 =	sadd.s32 s3, s2  }
0x8d: {  	s2 =	sadd.s32 s2, s17  }
0x8e: {  	[smem:$0x3FC7] =	sst s2  }
0x8f: {  	_ = 	snop  }
0x90: {  	s2 =	sld [smem:$0x3FD0];
	(tm) =	ssettm $0x1  }
0x91: {  	s18 =	sld [smem:$0x3FFB];
	_ =	sdelay $0x3  }
0x92: {  	_ =	strace s18  }
0x93: {  	s3 =	sld [smem:$0x3FFC];
	_ =	sdelay $0x3  }
0x94: {  	_ =	strace s3  }
0x95: {  	s3 =	sld [smem:$0x3FFD];
	_ =	sdelay $0x3  }
0x96: {  	_ =	strace s3  }
0x97: {  	_ =	strace $0x8FFFFFFF  }
0x98: {  	s19 =	sld [smem:$0x3FDB];
	_ =	sdelay $0x1  }
0x99: {  	s4 =	simm.s32 $_scs_section_size  }
0x9a: {  	s5 =	simm.s32 $_size__tile_overlayer_lowered;
	s6 =	simm.s32 $_tile_overlayer_lowered  }
0x9b: {  	s22 =	simm.s32 $0x1BFF;
	s21 =	sshll.u32 s6, $0x1;
	s3 =	sadd.s32 s4, s19  }
0x9c: {  	s7 =	simm.s32 $0x0;
	s20 =	sshll.u32 s5, $0x1;
	s5 =	sadd.s32 s21, s3  }
0x9d: {  	[timem:s7], [sflag:s22] =	dma.local [hbm:s5], s20  }
0x9e: {  	_ =	swait.ge [sflag:s22], s20  }
0x9f: {  	s4 =	ssub.s32 $0x0, s20;
	[sflag:s22] =	ssyncset.done $0x0  }
0xa0: {  	[sflag:s22] =	ssyncadd.s32 s4;
	_ =	sdelay $0x1  }
0xa1: {  	s23 =	simm.s32 $0x1B8B  }
0xa2: {  	_ =	swait.ge [sflag:s23], $0x1  }
0xa3: {  	[sflag:s23] =	ssyncset.done $0x0  }
0xa4: {  	s25 =	simm.s32 $0x1B8E;
	s24 =	sld [smem:$0x3FFE];
	[sflag:s23] =	ssyncadd.s32 $0xFFFFFFFF  }
0xa5: {  	s26 =	simm.s32 $execute0_lowered;
	[smem:$0x3FD2] =	sst s25  }
0xa6: {  	s5 =	sshll.u32 s26, $0x1;
	_ =	strace $0x80000046;
	[dreg:$0x1] =	wrdreg $0xFFFFFFFF  }
0xa7: {  	s28 =	simm.s32 $_size_execute0_lowered;
	s3 =	sadd.s32 s3, s5;
	[dreg:$0x0] =	wrdreg $0x0  }
0xa8: {  	s5 =	sshll.u32 s28, $0x1;
	[dreg:$0x2] =	wrdreg s3  }
0xa9: {  	[dreg:$0x3] =	wrdreg s5  }
0xaa: {  	[dreg:$0x4] =	wrdreg $0xC0  }
0xab: {  	_ =	task [dreg:s7], $0x5FFFF  }
0xac: {  	[dreg:$0x1] =	wrdreg $0xFFFFFFFF  }
0xad: {  	[dreg:$0x0] =	wrdreg $0x60  }
0xae: {  	[dreg:$0x2] =	wrdreg s2  }
0xaf: {  	[dreg:$0x3] =	wrdreg s24  }
0xb0: {  	[dreg:$0x4] =	wrdreg $0x9  }
0xb1: {  	_ =	task.clear_ibuf [dreg:s7], $0x5FFFF;
	_ =	strace $0x90000046  }
0xb2: {  	s29 =	simm.s32 $0x9;
	_ =	strace $0x80000048  }
0xb3: {  	_ =	swait.ge [sflag:s29], $0x1  }
0xb4: {  	[sflag:s29] =	ssyncadd.s32 $0xFFFFFFFF  }
0xb5: {  	_ =	strace $0x90000048  }
0xb6: {  	_ =	sfence  }
0xb7: {  	s30 =	sld [smem:$0x0];
	_ =	sdelay $0x2  }
0xb8: {  	s31 =	sshll.u32 s1, $0xD;
	s1 =	sshrl.u32 s1, $0x2  }
0xb9: {  	s3 =	sand.u32 $0x4000, s31;
	s1 =	sadd.s32 s1, s30  }
0xba: {  	s0 =	sor.u32 s3, s0;
	s1 =	sshll.u32 s1, $0x11  }
0xbb: {  	s0 =	sor.u32 s1, s0  }
0xbc: {  	s0 =	sadd.s32 $0x8F2B, s0  }
0xbd: {  	[sflag:s0] =	ssyncadd.remote.s32 $0x1  }
0xbe: {  	_ =	sfence.sel $0xFFFF  }
0xbf: {  	[dreg:$0x0] =	wrdreg $0xFFFFFFFF;
	(pc) =	sbr.abs _section_cstart, $3  }
0xc0: {  	[dreg:$0x1] =	wrdreg $0xFFFFFFFF  }
0xc1: {  	_ =	task.clear_ibuf [dreg:s7], $0x2FFFF;
	_ =	strace $0x9FFFFFFF  }
0xc2: {  	(tm) =	ssettm $0x7FFFFFFF  }
0xc3: {  	_ =	shalt  }
tec
execute0_lowered:
.L_overlay_start_1:
0x0: {  	(tag) =	ssettag $0x1  }
0x1: {  	s0 =	rddreg [dreg:$0x0]  }
0x2: {  	s1 =	rddreg [dreg:$0x1]  }
0x3: {  	s2 =	srdreg.scid;
	s5 =	stileid.u32;
	s29 =	simm.s32 $0x0  }
0x4: {  	s31 =	simm.s32 $0x80;
	s2 =	sand.u32 $0x1, s2;
	s3 =	sshll.u32 s5, $0x14  }
0x5: {  	[smem:$0x7FF] =	sst s29;
	s26 =	sshll.u32 s5, $0xA;
	s4 =	ssub.s32 $0x2, s2  }
0x6: {  	s1 =	sadd.s32 s3, s1;
	_ =	strace $0x80000047;
	s0 =	sadd.s32 s26, s0  }
0x7: {  	s28 =	sshll.u32 s2, $0x13;
	s2 =	sshll.u32 s2, $0x9;
	[dreg:$0x4] =	wrdreg s31  }
0x8: {  	s25 =	sshrl.u32 s4, $0x1;
	s1 =	sadd.s32 s28, s1;
	s0 =	sadd.s32 s2, s0  }
0x9: {  	s3 =	ssub.s32 s4, s25;
	s1 =	sadd.s32 $0x400, s1;
	[dreg:$0x3] =	wrdreg s0  }
0xa: {  	s3 =	smax.u32 s3, $0x1;
	[dreg:$0x1c] =	wrdreg s1  }
0xb: {  	v0 =	vimm.f32 $0.0e+00;
	s30 =	simm.s32 $0x1;
	v1 =	vlaneseq.u32;
	s1 =	simm.s32 $0x0;
	[dreg:$0x1b] =	wrdreg s3  }
.LBB2_1:
0xc: {  	[dreg:$0x1d] =	wrdreg s1;
	s0 =	simm.s32 $0x0  }
.LBB2_2:
0xd: {  	s1 =	sshll.u32 s0, $0xA;
	s2 =	sshll.u32 s0, $0x7  }
0xe: {  	s1 =	sand.u32 $0x6000, s1;
	s2 =	sand.u32 $0x380, s2  }
0xf: {  	s2 =	sor.u32 s2, s1;
	s1 =	simm.s32 $0x0  }
0x10: {  	s2 =	sadd.s32 $0x80, s2;
	s3 =	sand.u32 $0x1C00, s1  }
0x11: {  	s4 =	sand.u32 $0x70, s1;
	s5 =	sadd.s32 s3, s2  }
0x12: {  	s3 =	simm.s32 $0x10;
	s4 =	sadd.s32 s4, s5  }
.LBB2_3:
0x13: {  	p0 =	sne.s32 s3, $0x3E0  }
0x14: {  	[tilespmem:s4+$0x0] =	vst v0;
	s1 =	sadd.s32 $0x80, s1;
	s4 =	smov.u32 s3;
	s3 =	sadd.s32 $0x10, s3  }
.Ltmp0:
0x15: {  	(pc) =	sbr.rel @p0 .LBB2_3-.Ltmp0, $4  }
0x16: {  	_ = 	snop  }
0x17: {  	s5 =	sand.u32 $0x1C00, s1  }
0x18: {  	s4 =	sand.u32 $0x70, s4;
	s5 =	sadd.s32 s5, s2  }
0x19: {  	s4 =	sadd.s32 s4, s5  }
0x1a: {  	s0 =	sadd.s32 $0x1, s0  }
0x1b: {  	p0 =	sne.s32 s0, $0x1A  }
.Ltmp1:
0x1c: {  	_ = 	snop;
	(pc) =	sbr.rel @p0 .LBB2_2-.Ltmp1, $2  }
0x1d: {  	_ =	sdelay $0x2  }
0x1e: {  	[tilespmem:s4+$0x0] =	vst v0  }
0x1f: {  	s0 =	rddreg [dreg:$0x3]  }
0x20: {  	s0 =	sadd.s32 $0x0, s0  }
0x21: {  	[tilespmem:s29], [sflag:$0x1] =	stream.linear.gather [hbm4b:s0+s29], $0x20, $0x38;
	[tilespmem:$0x8080] =	vst v63  }
0x22: {  	_ =	swait.ge [sflag:s30], $0x20  }
0x23: {  	[sflag:s30] =	ssyncset.done $0x0  }
0x24: {  	[sflag:s30] =	ssyncadd.s32 $0xFFFFFFE0  }
0x25: {  	v3 =	vld [tilespmem:$0x0];
	_ =	sdelay $0x4  }
0x26: {  	(v2sf) =	vpush v3, $0x0;
	_ =	sdelay $0x6  }
0x27: {  	(v2sf) =	vpush v3, $0x1;
	_ =	sdelay $0x6  }
0x28: {  	(v2sf) =	vpush v3, $0x2  }
0x29: {  	s12 =	spop (v2sf)  }
0x2a: {  	s1 =	sshll.u32 s12, $0x3  }
0x2b: {  	s2 =	sand.u32 $0x70, s12;
	s1 =	sand.u32 $0xFFFFFC00, s1  }
0x2c: {  	s7 =	sor.u32 s2, s1  }
0x2d: {  	v4 =	vld [tilespmem:s7+$0x80];
	_ =	sdelay $0x1  }
0x2e: {  	v2 =	vbroadcast v3, $0x0;
	(v2sf) =	vpush v3, $0x3;
	s0 =	sand.u32 $0xFFFFFFF0, s12  }
0x2f: {  	s13 =	spop (v2sf);
	v5 =	vor.u32 s0, v1  }
0x30: {  	s14 =	sshll.u32 s13, $0x3;
	vm0 =	veq.s32 v5, v2  }
0x31: {  	s15 =	sand.u32 $0x70, s13;
	s0 =	sand.u32 $0xFFFFFC00, s14;
	v4 =	vsel vm0, $0x3F800000, v4  }
0x32: {  	v2 =	vld [tilespmem:$0x10];
	s8 =	sor.u32 s15, s0;
	[tilespmem:s7+$0x80] =	vst v4  }
0x33: {  	v4 =	vld [tilespmem:s8+$0x100];
	_ =	sdelay $0x1  }
0x34: {  	v17 =	vbroadcast v3, $0x1;
	(v2sf) =	vpush v3, $0x4;
	s16 =	sand.u32 $0xFFFFFFF0, s13  }
0x35: {  	s17 =	spop (v2sf);
	v6 =	vor.u32 s16, v1  }
0x36: {  	s18 =	sshll.u32 s17, $0x3;
	vm15 =	veq.s32 v6, v17  }
0x37: {  	s19 =	sand.u32 $0x70, s17;
	s1 =	sand.u32 $0xFFFFFC00, s18;
	v4 =	vsel vm15, $0x3F800000, v4  }
0x38: {  	s9 =	sor.u32 s19, s1;
	[tilespmem:s8+$0x100] =	vst v4  }
0x39: {  	v4 =	vld [tilespmem:s9+$0x180];
	_ =	sdelay $0x1  }
0x3a: {  	v18 =	vbroadcast v3, $0x2;
	(v2sf) =	vpush v3, $0x5;
	s0 =	sand.u32 $0xFFFFFFF0, s17  }
0x3b: {  	v19 =	vor.u32 s0, v1;
	s20 =	spop (v2sf)  }
0x3c: {  	vm4 =	veq.s32 v19, v18;
	s21 =	sshll.u32 s20, $0x3  }
0x3d: {  	s22 =	sand.u32 $0x70, s20;
	s0 =	sand.u32 $0xFFFFFC00, s21;
	v4 =	vsel vm4, $0x3F800000, v4  }
0x3e: {  	s10 =	sor.u32 s22, s0;
	[tilespmem:s9+$0x180] =	vst v4  }
0x3f: {  	v4 =	vld [tilespmem:s10+$0x200];
	_ =	sdelay $0x1  }
0x40: {  	v20 =	vbroadcast v3, $0x3;
	(v2sf) =	vpush v3, $0x6;
	s23 =	sand.u32 $0xFFFFFFF0, s20  }
0x41: {  	s24 =	spop (v2sf);
	v21 =	vor.u32 s23, v1  }
0x42: {  	s25 =	sshll.u32 s24, $0x3;
	vm5 =	veq.s32 v21, v20  }
0x43: {  	s26 =	sand.u32 $0x70, s24;
	s1 =	sand.u32 $0xFFFFFC00, s25;
	v4 =	vsel vm5, $0x3F800000, v4  }
0x44: {  	s11 =	sor.u32 s26, s1;
	[tilespmem:s10+$0x200] =	vst v4  }
0x45: {  	v4 =	vld [tilespmem:s11+$0x280];
	_ =	sdelay $0x1  }
0x46: {  	v22 =	vbroadcast v3, $0x4;
	(v2sf) =	vpush v3, $0x7;
	s0 =	sand.u32 $0xFFFFFFF0, s24  }
0x47: {  	s28 =	spop (v2sf);
	v23 =	vor.u32 s0, v1  }
0x48: {  	s3 =	sshll.u32 s28, $0x3;
	vm6 =	veq.s32 v23, v22  }
0x49: {  	s4 =	sand.u32 $0x70, s28;
	s0 =	sand.u32 $0xFFFFFC00, s3;
	v4 =	vsel vm6, $0x3F800000, v4  }
0x4a: {  	s12 =	sor.u32 s4, s0;
	[tilespmem:s11+$0x280] =	vst v4  }
0x4b: {  	v4 =	vld [tilespmem:s12+$0x300];
	_ =	sdelay $0x1  }
0x4c: {  	v24 =	vbroadcast v3, $0x5;
	(v2sf) =	vpush v3, $0x8;
	s5 =	sand.u32 $0xFFFFFFF0, s28  }
0x4d: {  	v25 =	vor.u32 s5, v1;
	s6 =	spop (v2sf)  }
0x4e: {  	vm7 =	veq.s32 v25, v24;
	s14 =	sshll.u32 s6, $0x3  }
0x4f: {  	s15 =	sand.u32 $0x70, s6;
	s1 =	sand.u32 $0xFFFFFC00, s14;
	v4 =	vsel vm7, $0x3F800000, v4  }
0x50: {  	s13 =	sor.u32 s15, s1;
	[tilespmem:s12+$0x300] =	vst v4  }
0x51: {  	v4 =	vld [tilespmem:s13+$0x380];
	_ =	sdelay $0x1  }
0x52: {  	v26 =	vbroadcast v3, $0x6;
	(v2sf) =	vpush v3, $0x9;
	s0 =	sand.u32 $0xFFFFFFF0, s6  }
0x53: {  	s16 =	spop (v2sf);
	v27 =	vor.u32 s0, v1  }
0x54: {  	s17 =	sshll.u32 s16, $0x3;
	vm8 =	veq.s32 v27, v26  }
0x55: {  	s18 =	sand.u32 $0x70, s16;
	s0 =	sand.u32 $0xFFFFFC00, s17;
	v4 =	vsel vm8, $0x3F800000, v4  }
0x56: {  	s14 =	sor.u32 s18, s0;
	[tilespmem:s13+$0x380] =	vst v4  }
0x57: {  	v4 =	vld [tilespmem:s14+$0x400];
	_ =	sdelay $0x1  }
0x58: {  	v28 =	vbroadcast v3, $0x7;
	(v2sf) =	vpush v3, $0xA;
	s19 =	sand.u32 $0xFFFFFFF0, s16  }
0x59: {  	s20 =	spop (v2sf);
	v29 =	vor.u32 s19, v1  }
0x5a: {  	s21 =	sshll.u32 s20, $0x3;
	vm9 =	veq.s32 v29, v28  }
0x5b: {  	s22 =	sand.u32 $0x70, s20;
	s0 =	sand.u32 $0xFFFFFC00, s21;
	v4 =	vsel vm9, $0x3F800000, v4  }
0x5c: {  	s0 =	sor.u32 s22, s0;
	[tilespmem:s14+$0x400] =	vst v4  }
0x5d: {  	v4 =	vld [tilespmem:s0+$0x2080];
	_ =	sdelay $0x1  }
0x5e: {  	v30 =	vbroadcast v3, $0x8;
	(v2sf) =	vpush v3, $0xB;
	s1 =	sand.u32 $0xFFFFFFF0, s20  }
0x5f: {  	v31 =	vor.u32 s1, v1;
	s23 =	spop (v2sf)  }
0x60: {  	vm10 =	veq.s32 v31, v30;
	s24 =	sshll.u32 s23, $0x3  }
0x61: {  	s3 =	sand.u32 $0x70, s23;
	s1 =	sand.u32 $0xFFFFFC00, s24;
	v4 =	vsel vm10, $0x3F800000, v4  }
0x62: {  	s1 =	sor.u32 s3, s1;
	[tilespmem:s0+$0x2080] =	vst v4  }
0x63: {  	v4 =	vld [tilespmem:s1+$0x2100];
	_ =	sdelay $0x1  }
0x64: {  	v32 =	vbroadcast v3, $0x9;
	(v2sf) =	vpush v3, $0xC;
	s2 =	sand.u32 $0xFFFFFFF0, s23  }
0x65: {  	s25 =	spop (v2sf);
	v33 =	vor.u32 s2, v1  }
0x66: {  	s26 =	sshll.u32 s25, $0x3;
	vm11 =	veq.s32 v33, v32  }
0x67: {  	s4 =	sand.u32 $0x70, s25;
	s2 =	sand.u32 $0xFFFFFC00, s26;
	v4 =	vsel vm11, $0x3F800000, v4  }
0x68: {  	s2 =	sor.u32 s4, s2;
	[tilespmem:s1+$0x2100] =	vst v4  }
0x69: {  	v4 =	vld [tilespmem:s2+$0x2180];
	_ =	sdelay $0x1  }
0x6a: {  	v34 =	vbroadcast v3, $0xA;
	(v2sf) =	vpush v3, $0xD;
	s3 =	sand.u32 $0xFFFFFFF0, s25  }
0x6b: {  	s28 =	spop (v2sf);
	v35 =	vor.u32 s3, v1  }
0x6c: {  	s6 =	sshll.u32 s28, $0x3;
	vm12 =	veq.s32 v35, v34  }
0x6d: {  	s5 =	sand.u32 $0x70, s28;
	s3 =	sand.u32 $0xFFFFFC00, s6;
	v4 =	vsel vm12, $0x3F800000, v4  }
0x6e: {  	s3 =	sor.u32 s5, s3;
	[tilespmem:s2+$0x2180] =	vst v4  }
0x6f: {  	v4 =	vld [tilespmem:s3+$0x2200];
	_ =	sdelay $0x1  }
0x70: {  	v36 =	vbroadcast v3, $0xB;
	(v2sf) =	vpush v3, $0xE;
	s4 =	sand.u32 $0xFFFFFFF0, s28  }
0x71: {  	v37 =	vor.u32 s4, v1;
	s15 =	spop (v2sf)  }
0x72: {  	vm13 =	veq.s32 v37, v36;
	s16 =	sshll.u32 s15, $0x3  }
0x73: {  	s6 =	sand.u32 $0x70, s15;
	s4 =	sand.u32 $0xFFFFFC00, s16;
	v4 =	vsel vm13, $0x3F800000, v4  }
0x74: {  	s4 =	sor.u32 s6, s4;
	[tilespmem:s3+$0x2200] =	vst v4  }
0x75: {  	v4 =	vld [tilespmem:s4+$0x2280];
	_ =	sdelay $0x1  }
0x76: {  	v38 =	vbroadcast v3, $0xC;
	(v2sf) =	vpush v3, $0xF;
	s5 =	sand.u32 $0xFFFFFFF0, s15  }
0x77: {  	s17 =	spop (v2sf);
	v39 =	vor.u32 s5, v1  }
0x78: {  	s18 =	sshll.u32 s17, $0x3;
	vm14 =	veq.s32 v39, v38  }
0x79: {  	s15 =	sand.u32 $0x70, s17;
	s5 =	sand.u32 $0xFFFFFC00, s18;
	v4 =	vsel vm14, $0x3F800000, v4  }
0x7a: {  	s5 =	sor.u32 s15, s5;
	[tilespmem:s4+$0x2280] =	vst v4  }
0x7b: {  	v4 =	vld [tilespmem:s5+$0x2300];
	_ =	sdelay $0x1  }
0x7c: {  	v40 =	vbroadcast v3, $0xD;
	(v2sf) =	vpush v2, $0x0;
	s6 =	sand.u32 $0xFFFFFFF0, s17  }
0x7d: {  	s19 =	spop (v2sf);
	v41 =	vor.u32 s6, v1  }
0x7e: {  	s20 =	sshll.u32 s19, $0x3;
	vm15 =	veq.s32 v41, v40  }
0x7f: {  	s16 =	sand.u32 $0x70, s19;
	s6 =	sand.u32 $0xFFFFFC00, s20;
	v4 =	vsel vm15, $0x3F800000, v4  }
0x80: {  	s6 =	sor.u32 s16, s6;
	[tilespmem:s5+$0x2300] =	vst v4  }
0x81: {  	v4 =	vld [tilespmem:s6+$0x2380];
	_ =	sdelay $0x1  }
0x82: {  	v42 =	vbroadcast v3, $0xE;
	(v2sf) =	vpush v2, $0x1;
	s15 =	sand.u32 $0xFFFFFFF0, s19  }
0x83: {  	v43 =	vor.u32 s15, v1;
	s21 =	spop (v2sf)  }
0x84: {  	vm4 =	veq.s32 v43, v42;
	s22 =	sshll.u32 s21, $0x3  }
0x85: {  	s17 =	sand.u32 $0x70, s21;
	s15 =	sand.u32 $0xFFFFFC00, s22;
	v4 =	vsel vm4, $0x3F800000, v4  }
0x86: {  	s15 =	sor.u32 s17, s15;
	[tilespmem:s6+$0x2380] =	vst v4  }
0x87: {  	v4 =	vld [tilespmem:s15+$0x2400];
	_ =	sdelay $0x1  }
0x88: {  	v3 =	vbroadcast v3, $0xF;
	(v2sf) =	vpush v2, $0x2;
	s16 =	sand.u32 $0xFFFFFFF0, s21  }
0x89: {  	s23 =	spop (v2sf);
	v44 =	vor.u32 s16, v1  }
0x8a: {  	s24 =	sshll.u32 s23, $0x3;
	vm5 =	veq.s32 v44, v3  }
0x8b: {  	s18 =	sand.u32 $0x70, s23;
	s16 =	sand.u32 $0xFFFFFC00, s24;
	v3 =	vsel vm5, $0x3F800000, v4  }
0x8c: {  	s16 =	sor.u32 s18, s16;
	[tilespmem:s15+$0x2400] =	vst v3  }
0x8d: {  	v3 =	vld [tilespmem:s16+$0x4080];
	_ =	sdelay $0x1  }
0x8e: {  	v45 =	vbroadcast v2, $0x0;
	(v2sf) =	vpush v2, $0x3;
	s17 =	sand.u32 $0xFFFFFFF0, s23  }
0x8f: {  	s25 =	spop (v2sf);
	v46 =	vor.u32 s17, v1  }
0x90: {  	s26 =	sshll.u32 s25, $0x3;
	vm6 =	veq.s32 v46, v45  }
0x91: {  	s19 =	sand.u32 $0x70, s25;
	s17 =	sand.u32 $0xFFFFFC00, s26;
	v3 =	vsel vm6, $0x3F800000, v3  }
0x92: {  	s17 =	sor.u32 s19, s17;
	[tilespmem:s16+$0x4080] =	vst v3  }
0x93: {  	v3 =	vld [tilespmem:s17+$0x4100];
	_ =	sdelay $0x1  }
0x94: {  	v47 =	vbroadcast v2, $0x1;
	(v2sf) =	vpush v2, $0x4;
	s18 =	sand.u32 $0xFFFFFFF0, s25  }
0x95: {  	v48 =	vor.u32 s18, v1;
	s28 =	spop (v2sf)  }
0x96: {  	vm7 =	veq.s32 v48, v47;
	s21 =	sshll.u32 s28, $0x3  }
0x97: {  	s20 =	sand.u32 $0x70, s28;
	s18 =	sand.u32 $0xFFFFFC00, s21;
	v3 =	vsel vm7, $0x3F800000, v3  }
0x98: {  	s18 =	sor.u32 s20, s18;
	[tilespmem:s17+$0x4100] =	vst v3  }
0x99: {  	v3 =	vld [tilespmem:s18+$0x4180];
	_ =	sdelay $0x1  }
0x9a: {  	v49 =	vbroadcast v2, $0x2;
	(v2sf) =	vpush v2, $0x5;
	s19 =	sand.u32 $0xFFFFFFF0, s28  }
0x9b: {  	s22 =	spop (v2sf);
	v50 =	vor.u32 s19, v1  }
0x9c: {  	s23 =	sshll.u32 s22, $0x3;
	vm8 =	veq.s32 v50, v49  }
0x9d: {  	s21 =	sand.u32 $0x70, s22;
	s20 =	sand.u32 $0xFFFFFC00, s23;
	v3 =	vsel vm8, $0x3F800000, v3  }
0x9e: {  	s20 =	sor.u32 s21, s20;
	[tilespmem:s18+$0x4180] =	vst v3  }
0x9f: {  	v3 =	vld [tilespmem:s20+$0x4200];
	_ =	sdelay $0x1  }
0xa0: {  	v51 =	vbroadcast v2, $0x3;
	(v2sf) =	vpush v2, $0x6;
	s19 =	sand.u32 $0xFFFFFFF0, s22  }
0xa1: {  	s22 =	spop (v2sf);
	v52 =	vor.u32 s19, v1  }
0xa2: {  	s24 =	sshll.u32 s22, $0x3;
	vm9 =	veq.s32 v52, v51  }
0xa3: {  	s25 =	sand.u32 $0x70, s22;
	s19 =	sand.u32 $0xFFFFFC00, s24;
	v3 =	vsel vm9, $0x3F800000, v3  }
0xa4: {  	s21 =	sor.u32 s25, s19;
	[tilespmem:s20+$0x4200] =	vst v3  }
0xa5: {  	v3 =	vld [tilespmem:s21+$0x4280];
	_ =	sdelay $0x1  }
0xa6: {  	v53 =	vbroadcast v2, $0x4;
	(v2sf) =	vpush v2, $0x7;
	s26 =	sand.u32 $0xFFFFFFF0, s22  }
0xa7: {  	v54 =	vor.u32 s26, v1;
	s28 =	spop (v2sf)  }
0xa8: {  	vm10 =	veq.s32 v54, v53;
	s24 =	sshll.u32 s28, $0x3  }
0xa9: {  	s23 =	sand.u32 $0x70, s28;
	s22 =	sand.u32 $0xFFFFFC00, s24;
	v3 =	vsel vm10, $0x3F800000, v3  }
0xaa: {  	s22 =	sor.u32 s23, s22;
	[tilespmem:s21+$0x4280] =	vst v3  }
0xab: {  	v3 =	vld [tilespmem:s22+$0x4300];
	_ =	sdelay $0x1  }
0xac: {  	v55 =	vbroadcast v2, $0x5;
	(v2sf) =	vpush v2, $0x8;
	s19 =	sand.u32 $0xFFFFFFF0, s28  }
0xad: {  	s25 =	spop (v2sf);
	v56 =	vor.u32 s19, v1  }
0xae: {  	s26 =	sshll.u32 s25, $0x3;
	vm11 =	veq.s32 v56, v55  }
0xaf: {  	s24 =	sand.u32 $0x70, s25;
	s23 =	sand.u32 $0xFFFFFC00, s26;
	v3 =	vsel vm11, $0x3F800000, v3  }
0xb0: {  	s23 =	sor.u32 s24, s23;
	[tilespmem:s22+$0x4300] =	vst v3  }
0xb1: {  	v3 =	vld [tilespmem:s23+$0x4380];
	_ =	sdelay $0x1  }
0xb2: {  	v57 =	vbroadcast v2, $0x6;
	(v2sf) =	vpush v2, $0x9;
	s19 =	sand.u32 $0xFFFFFFF0, s25  }
0xb3: {  	s28 =	spop (v2sf);
	v58 =	vor.u32 s19, v1  }
0xb4: {  	s25 =	sshll.u32 s28, $0x3;
	vm12 =	veq.s32 v58, v57  }
0xb5: {  	s19 =	sand.u32 $0xFFFFFC00, s25;
	s25 =	sand.u32 $0x70, s28;
	v3 =	vsel vm12, $0x3F800000, v3  }
0xb6: {  	s25 =	sor.u32 s25, s19;
	[tilespmem:s23+$0x4380] =	vst v3  }
0xb7: {  	v3 =	vld [tilespmem:s25+$0x4400];
	_ =	sdelay $0x1  }
0xb8: {  	v59 =	vbroadcast v2, $0x7;
	s26 =	sand.u32 $0xFFFFFFF0, s28  }
0xb9: {  	v60 =	vor.u32 s26, v1;
	s28 =	spop (v2sf)  }
0xba: {  	vm13 =	veq.s32 v60, v59;
	s26 =	sshll.u32 s28, $0x3  }
0xbb: {  	s24 =	sand.u32 $0xFFFFFC00, s26;
	s26 =	sand.u32 $0x70, s28;
	v3 =	vsel vm13, $0x3F800000, v3  }
0xbc: {  	s24 =	sor.u32 s26, s24;
	[tilespmem:s25+$0x4400] =	vst v3  }
0xbd: {  	v3 =	vld [tilespmem:s24+$0x6080];
	_ =	sdelay $0x1  }
0xbe: {  	v61 =	vbroadcast v2, $0x8;
	s19 =	sand.u32 $0xFFFFFFF0, s28  }
0xbf: {  	v62 =	vor.u32 s19, v1;
	s26 =	spop (v2sf)  }
0xc0: {  	vm14 =	veq.s32 v62, v61;
	s28 =	sshll.u32 s26, $0x3  }
0xc1: {  	s19 =	sand.u32 $0xFFFFFC00, s28;
	s28 =	sand.u32 $0x70, s26;
	v3 =	vsel vm14, $0x3F800000, v3  }
0xc2: {  	s19 =	sor.u32 s28, s19;
	[tilespmem:s24+$0x6080] =	vst v3  }
0xc3: {  	v3 =	vld [tilespmem:s19+$0x6100];
	_ =	sdelay $0x1  }
0xc4: {  	v2 =	vbroadcast v2, $0x9;
	s26 =	sand.u32 $0xFFFFFFF0, s26  }
0xc5: {  	v63 =	vor.u32 s26, v1  }
0xc6: {  	vm15 =	veq.s32 v63, v2  }
0xc7: {  	s26 =	rddreg [dreg:$0x4];
	v2 =	vsel vm15, $0x3F800000, v3  }
0xc8: {  	s28 =	rddreg [dreg:$0x1c];
	[tilespmem:s19+$0x6100] =	vst v2  }
0xc9: {  	[hbm4b:s28+s29] =	stream.linear.scatter [tilespmem:s26], [sflag:$0x1], $0x8000, $0x38;
	[tilespmem:$0x8080] =	vst v63  }
0xca: {  	_ =	swait.ge [sflag:s30], $0x8000  }
0xcb: {  	[sflag:s30] =	ssyncset.done $0x0  }
0xcc: {  	[sflag:s30] =	ssyncadd.s32 $0xFFFF8000  }
0xcd: {  	[tilespmem:s7+$0x80] =	vst v0  }
0xce: {  	[tilespmem:s8+$0x100] =	vst v0  }
0xcf: {  	[tilespmem:s9+$0x180] =	vst v0  }
0xd0: {  	[tilespmem:s10+$0x200] =	vst v0  }
0xd1: {  	[tilespmem:s11+$0x280] =	vst v0  }
0xd2: {  	[tilespmem:s12+$0x300] =	vst v0  }
0xd3: {  	[tilespmem:s13+$0x380] =	vst v0  }
0xd4: {  	[tilespmem:s14+$0x400] =	vst v0  }
0xd5: {  	[tilespmem:s0+$0x2080] =	vst v0  }
0xd6: {  	[tilespmem:s1+$0x2100] =	vst v0  }
0xd7: {  	[tilespmem:s2+$0x2180] =	vst v0  }
0xd8: {  	[tilespmem:s3+$0x2200] =	vst v0  }
0xd9: {  	[tilespmem:s4+$0x2280] =	vst v0  }
0xda: {  	[tilespmem:s5+$0x2300] =	vst v0  }
0xdb: {  	[tilespmem:s6+$0x2380] =	vst v0  }
0xdc: {  	[tilespmem:s15+$0x2400] =	vst v0  }
0xdd: {  	[tilespmem:s16+$0x4080] =	vst v0  }
0xde: {  	[tilespmem:s17+$0x4100] =	vst v0  }
0xdf: {  	[tilespmem:s18+$0x4180] =	vst v0  }
0xe0: {  	[tilespmem:s20+$0x4200] =	vst v0  }
0xe1: {  	[tilespmem:s21+$0x4280] =	vst v0  }
0xe2: {  	[tilespmem:s22+$0x4300] =	vst v0  }
0xe3: {  	[tilespmem:s23+$0x4380] =	vst v0  }
0xe4: {  	s31 =	smov.u32 s28;
	[tilespmem:s25+$0x4400] =	vst v0  }
0xe5: {  	s0 =	simm.s32 $0x8;
	s1 =	rddreg [dreg:$0x3];
	s2 =	simm.s32 $0x4;
	[tilespmem:s24+$0x6080] =	vst v0  }
.LBB2_6:
0xe6: {  	s31 =	sadd.s32 $0x1000, s31  }
0xe7: {  	s20 =	smov.u32 s0;
	[dreg:$0x5] =	wrdreg s31  }
0xe8: {  	s21 =	sadd.s32 $0x4, s0;
	[dreg:$0x7] =	wrdreg s20  }
0xe9: {  	s1 =	sadd.s32 s2, s1;
	[tilespmem:s19+$0x6100] =	vst v0;
	[dreg:$0x6] =	wrdreg s21  }
0xea: {  	[tilespmem:s29], [sflag:$0x1] =	stream.linear.gather [hbm4b:s1+s29], $0x20, $0x38;
	[tilespmem:$0x8080] =	vst v63  }
0xeb: {  	_ =	swait.ge [sflag:s30], $0x20  }
0xec: {  	[sflag:s30] =	ssyncset.done $0x0  }
0xed: {  	[sflag:s30] =	ssyncadd.s32 $0xFFFFFFE0  }
0xee: {  	v3 =	vld [tilespmem:$0x0];
	_ =	sdelay $0x4  }
0xef: {  	(v2sf) =	vpush v3, $0x0;
	_ =	sdelay $0x4  }
0xf0: {  	(v2sf) =	vpush v3, $0x1  }
0xf1: {  	(v2sf) =	vpush v3, $0x2  }
0xf2: {  	(v2sf) =	vpush v3, $0x3;
	_ =	sdelay $0x2  }
0xf3: {  	(v2sf) =	vpush v3, $0x4  }
0xf4: {  	(v2sf) =	vpush v3, $0x5  }
0xf5: {  	(v2sf) =	vpush v3, $0x6  }
0xf6: {  	(v2sf) =	vpush v3, $0x7  }
0xf7: {  	(v2sf) =	vpush v3, $0x8  }
0xf8: {  	s22 =	spop (v2sf)  }
0xf9: {  	s24 =	sshll.u32 s22, $0x3  }
0xfa: {  	p0 =	sne.s32 s0, $0x1FC;
	s0 =	sand.u32 $0x70, s22;
	s2 =	sand.u32 $0xFFFFFC00, s24  }
0xfb: {  	s9 =	sor.u32 s0, s2  }
0xfc: {  	(v2sf) =	vpush v3, $0x9;
	v4 =	vld [tilespmem:s9+$0x80]  }
0xfd: {  	s4 =	spop (v2sf);
	(v2sf) =	vpush v3, $0xA  }
0xfe: {  	v5 =	vbroadcast v3, $0x0;
	s23 =	sand.u32 $0xFFFFFFF0, s22;
	s28 =	spop (v2sf);
	(v2sf) =	vpush v3, $0xB  }
0xff: {  	v2 =	vor.u32 s23, v1;
	s0 =	spop (v2sf);
	(v2sf) =	vpush v3, $0xC  }
0x100: {  	s25 =	sshll.u32 s4, $0x3;
	s26 =	sand.u32 $0xFFFFFFF0, s4;
	vm0 =	veq.s32 v2, v5  }
0x101: {  	s4 =	sand.u32 $0x70, s4;
	s6 =	sand.u32 $0xFFFFFC00, s25;
	s3 =	sshll.u32 s28, $0x3;
	v2 =	vld [tilespmem:$0x10];
	v4 =	vsel vm0, $0x3F800000, v4  }
0x102: {  	s7 =	sand.u32 $0xFFFFFC00, s3;
	s3 =	spop (v2sf);
	s14 =	sor.u32 s4, s6;
	[tilespmem:s9+$0x80] =	vst v4  }
0x103: {  	(v2sf) =	vpush v3, $0xD;
	s15 =	spop (v2sf);
	v9 =	vld [tilespmem:s14+$0x100]  }
0x104: {  	(v2sf) =	vpush v3, $0xE;
	s16 =	spop (v2sf)  }
0x105: {  	v10 =	vbroadcast v3, $0x1;
	s18 =	sand.u32 $0xFFFFFFF0, s15;
	(v2sf) =	vpush v3, $0xF;
	s17 =	spop (v2sf)  }
0x106: {  	v6 =	vor.u32 s26, v1;
	s10 =	sand.u32 $0xFFFFFFF0, s28;
	v32 =	vor.u32 s18, v1;
	s18 =	spop (v2sf);
	(v2sf) =	vpush v2, $0x0  }
0x107: {  	s2 =	sand.u32 $0x70, s28;
	[dreg:$0x8] =	wrdreg s9;
	s12 =	sshll.u32 s0, $0x3;
	vm15 =	veq.s32 v6, v10  }
0x108: {  	s11 =	sand.u32 $0xFFFFFFF0, s0;
	s0 =	sand.u32 $0x70, s0;
	s1 =	sand.u32 $0xFFFFFC00, s12;
	v6 =	vsel vm15, $0x3F800000, v9  }
0x109: {  	s8 =	sand.u32 $0xFFFFFFF0, s3;
	s5 =	sshll.u32 s3, $0x3;
	s4 =	sor.u32 s2, s7;
	[tilespmem:s14+$0x100] =	vst v6  }
0x10a: {  	[dreg:$0x9] =	wrdreg s14;
	s3 =	sand.u32 $0x70, s3;
	s22 =	sshll.u32 s16, $0x3;
	v6 =	vld [tilespmem:s4+$0x180]  }
0x10b: {  	v7 =	vor.u32 s10, v1;
	s10 =	sand.u32 $0xFFFFFC00, s22;
	s26 =	sshll.u32 s18, $0x3;
	s22 =	spop (v2sf)  }
0x10c: {  	v33 =	vbroadcast v3, $0x2;
	s13 =	sshll.u32 s15, $0x3;
	s9 =	sand.u32 $0xFFFFFC00, s26;
	s26 =	spop (v2sf)  }
0x10d: {  	s21 =	sand.u32 $0xFFFFFC00, s5;
	s19 =	sand.u32 $0xFFFFFC00, s13;
	s2 =	spop (v2sf)  }
0x10e: {  	vm4 =	veq.s32 v7, v33;
	s20 =	sand.u32 $0xFFFFFFF0, s16;
	s13 =	sand.u32 $0xFFFFFFF0, s26;
	s6 =	spop (v2sf)  }
0x10f: {  	s24 =	sshll.u32 s17, $0x3;
	s28 =	sshll.u32 s22, $0x3;
	v16 =	vor.u32 s13, v1;
	s13 =	sshll.u32 s6, $0x3;
	v6 =	vsel vm4, $0x3F800000, v6  }
0x110: {  	s12 =	sand.u32 $0xFFFFFC00, s28;
	s28 =	sand.u32 $0xFFFFFC00, s13;
	s13 =	sor.u32 s0, s1;
	[tilespmem:s4+$0x180] =	vst v6  }
0x111: {  	v8 =	vor.u32 s11, v1;
	[dreg:$0xa] =	wrdreg s4;
	v20 =	vor.u32 s20, v1;
	s11 =	sand.u32 $0xFFFFFC00, s24;
	s20 =	sand.u32 $0xFFFFFFF0, s2;
	v6 =	vld [tilespmem:s13+$0x200]  }
0x112: {  	s25 =	sand.u32 $0xFFFFFFF0, s18;
	s14 =	sshll.u32 s26, $0x3;
	v15 =	vor.u32 s20, v1;
	s20 =	spop (v2sf)  }
0x113: {  	v34 =	vbroadcast v3, $0x3;
	v18 =	vor.u32 s25, v1;
	s24 =	sand.u32 $0xFFFFFC00, s14;
	s25 =	sand.u32 $0xFFFFFFF0, s6;
	s4 =	spop (v2sf)  }
0x114: {  	v14 =	vor.u32 s25, v1;
	s14 =	sand.u32 $0xFFFFFFF0, s20;
	s25 =	sand.u32 $0xFFFFFFF0, s4;
	s5 =	spop (v2sf)  }
0x115: {  	vm5 =	veq.s32 v8, v34;
	[dreg:$0x17] =	wrdreg s14;
	s14 =	sshll.u32 s4, $0x3;
	v13 =	vor.u32 s25, v1;
	s25 =	spop (v2sf)  }
0x116: {  	[dreg:$0x1a] =	wrdreg s28;
	s28 =	sand.u32 $0xFFFFFC00, s14;
	s14 =	sand.u32 $0xFFFFFFF0, s25;
	v6 =	vsel vm5, $0x3F800000, v6  }
0x117: {  	[dreg:$0x13] =	wrdreg s14;
	s14 =	sor.u32 s3, s21;
	[tilespmem:s13+$0x200] =	vst v6  }
0x118: {  	v6 =	vld [tilespmem:s14+$0x280];
	_ =	sdelay $0x1  }
0x119: {  	v35 =	vbroadcast v3, $0x4  }
0x11a: {  	v31 =	vor.u32 s8, v1;
	(v2sf) =	vpush v2, $0x1  }
0x11b: {  	vm6 =	veq.s32 v31, v35;
	(v2sf) =	vpush v2, $0x2  }
0x11c: {  	s15 =	sand.u32 $0x70, s15;
	v5 =	vsel vm6, $0x3F800000, v6  }
0x11d: {  	s15 =	sor.u32 s15, s19;
	(v2sf) =	vpush v2, $0x3;
	[tilespmem:s14+$0x280] =	vst v5  }
0x11e: {  	(v2sf) =	vpush v2, $0x4;
	v5 =	vld [tilespmem:s15+$0x300]  }
0x11f: {  	(v2sf) =	vpush v2, $0x5  }
0x120: {  	v21 =	vbroadcast v3, $0x5;
	_ =	sdelay $0x1  }
0x121: {  	vm7 =	veq.s32 v32, v21;
	(v2sf) =	vpush v2, $0x6  }
0x122: {  	s16 =	sand.u32 $0x70, s16;
	(v2sf) =	vpush v2, $0x7;
	v4 =	vsel vm7, $0x3F800000, v5  }
0x123: {  	s23 =	sand.u32 $0xFFFFFFF0, s17;
	s16 =	sor.u32 s16, s10;
	s8 =	sand.u32 $0xFFFFFFF0, s22;
	[tilespmem:s15+$0x300] =	vst v4  }
0x124: {  	v19 =	vor.u32 s23, v1;
	v17 =	vor.u32 s8, v1;
	s23 =	sshll.u32 s2, $0x3;
	s8 =	sshll.u32 s20, $0x3;
	v42 =	vld [tilespmem:s16+$0x380]  }
0x125: {  	s17 =	sand.u32 $0x70, s17;
	s30 =	sand.u32 $0xFFFFFC00, s23;
	s23 =	sand.u32 $0xFFFFFC00, s8;
	(v2sf) =	vpush v2, $0x8  }
0x126: {  	v22 =	vbroadcast v3, $0x6;
	s18 =	sand.u32 $0x70, s18;
	s17 =	sor.u32 s17, s11;
	[dreg:$0x19] =	wrdreg s23;
	(v2sf) =	vpush v2, $0x9  }
0x127: {  	s1 =	sand.u32 $0xFFFFFFF0, s5;
	s8 =	sshll.u32 s5, $0x3;
	[dreg:$0x18] =	wrdreg s28  }
0x128: {  	vm8 =	veq.s32 v20, v22;
	[dreg:$0x16] =	wrdreg s8;
	s23 =	sshll.u32 s25, $0x3;
	s7 =	spop (v2sf)  }
0x129: {  	v12 =	vor.u32 s1, v1;
	s28 =	sand.u32 $0xFFFFFFF0, s7;
	s1 =	sshll.u32 s7, $0x3;
	s8 =	spop (v2sf);
	v20 =	vsel vm8, $0x3F800000, v42  }
0x12a: {  	[dreg:$0x15] =	wrdreg s23;
	s23 =	sand.u32 $0xFFFFFC00, s1;
	v11 =	vor.u32 s28, v1;
	s28 =	sand.u32 $0xFFFFFFF0, s8;
	[tilespmem:s16+$0x380] =	vst v20  }
0x12b: {  	s1 =	sshll.u32 s8, $0x3;
	s3 =	spop (v2sf);
	[dreg:$0x14] =	wrdreg s23;
	v20 =	vld [tilespmem:s17+$0x400]  }
0x12c: {  	s21 =	sand.u32 $0xFFFFFC00, s1;
	s23 =	sshll.u32 s3, $0x3;
	s31 =	spop (v2sf)  }
0x12d: {  	v44 =	vbroadcast v3, $0x7;
	v36 =	vor.u32 s28, v1;
	s28 =	sand.u32 $0xFFFFFC00, s23;
	s23 =	sshll.u32 s31, $0x3;
	s29 =	spop (v2sf)  }
0x12e: {  	[dreg:$0x11] =	wrdreg s28;
	s28 =	sand.u32 $0xFFFFFC00, s23;
	s23 =	sshll.u32 s29, $0x3  }
0x12f: {  	vm9 =	veq.s32 v19, v44;
	s1 =	sand.u32 $0xFFFFFFF0, s31;
	[dreg:$0x10] =	wrdreg s28;
	s28 =	sand.u32 $0xFFFFFC00, s23  }
0x130: {  	v37 =	vor.u32 s1, v1;
	s1 =	sand.u32 $0xFFFFFFF0, s29;
	[dreg:$0xf] =	wrdreg s28;
	s28 =	spop (v2sf);
	v19 =	vsel vm9, $0x3F800000, v20  }
0x131: {  	s18 =	sor.u32 s18, s9;
	v38 =	vor.u32 s1, v1;
	s1 =	sshll.u32 s28, $0x3;
	s23 =	spop (v2sf);
	[tilespmem:s17+$0x400] =	vst v19  }
0x132: {  	[dreg:$0x12] =	wrdreg s21;
	s21 =	sand.u32 $0xFFFFFC00, s1;
	s1 =	sshll.u32 s23, $0x3;
	v19 =	vld [tilespmem:s18+$0x2080]  }
0x133: {  	s19 =	sand.u32 $0xFFFFFFF0, s28;
	[dreg:$0xe] =	wrdreg s21;
	s21 =	sand.u32 $0xFFFFFC00, s1  }
0x134: {  	v45 =	vbroadcast v3, $0x8;
	v39 =	vor.u32 s19, v1;
	s19 =	sand.u32 $0xFFFFFFF0, s23;
	[dreg:$0xd] =	wrdreg s21;
	s21 =	spop (v2sf)  }
0x135: {  	v40 =	vor.u32 s19, v1;
	s1 =	sand.u32 $0xFFFFFFF0, s21;
	s0 =	sshll.u32 s21, $0x3;
	s19 =	spop (v2sf)  }
0x136: {  	vm10 =	veq.s32 v18, v45;
	s0 =	sand.u32 $0xFFFFFC00, s0;
	v41 =	vor.u32 s1, v1;
	s1 =	sshll.u32 s19, $0x3  }
0x137: {  	[dreg:$0xc] =	wrdreg s0;
	s0 =	sand.u32 $0xFFFFFC00, s1;
	s1 =	sand.u32 $0x70, s22;
	v18 =	vsel vm10, $0x3F800000, v19  }
0x138: {  	s22 =	sor.u32 s1, s12;
	[tilespmem:s18+$0x2080] =	vst v18  }
0x139: {  	v18 =	vld [tilespmem:s22+$0x2100];
	_ =	sdelay $0x1  }
0x13a: {  	v46 =	vbroadcast v3, $0x9;
	_ =	sdelay $0x1  }
0x13b: {  	vm11 =	veq.s32 v17, v46  }
0x13c: {  	s9 =	sand.u32 $0x70, s26;
	v17 =	vsel vm11, $0x3F800000, v18  }
0x13d: {  	s26 =	sor.u32 s9, s24;
	[tilespmem:s22+$0x2100] =	vst v17  }
0x13e: {  	v17 =	vld [tilespmem:s26+$0x2180];
	_ =	sdelay $0x1  }
0x13f: {  	v47 =	vbroadcast v3, $0xA;
	_ =	sdelay $0x1  }
0x140: {  	vm12 =	veq.s32 v16, v47;
	s10 =	sand.u32 $0xFFFFFFF0, s19  }
0x141: {  	v43 =	vor.u32 s10, v1;
	s10 =	sand.u32 $0x70, s2;
	v16 =	vsel vm12, $0x3F800000, v17  }
0x142: {  	s2 =	sor.u32 s10, s30;
	[tilespmem:s26+$0x2180] =	vst v16  }
0x143: {  	v16 =	vld [tilespmem:s2+$0x2200];
	_ =	sdelay $0x1  }
0x144: {  	v48 =	vbroadcast v3, $0xB;
	_ =	sdelay $0x1  }
0x145: {  	vm13 =	veq.s32 v15, v48  }
0x146: {  	s11 =	sand.u32 $0x70, s6;
	s12 =	rddreg [dreg:$0x1a];
	v15 =	vsel vm13, $0x3F800000, v16  }
0x147: {  	s6 =	sor.u32 s11, s12;
	[tilespmem:s2+$0x2200] =	vst v15  }
0x148: {  	v15 =	vld [tilespmem:s6+$0x2280];
	_ =	sdelay $0x1  }
0x149: {  	v49 =	vbroadcast v3, $0xC;
	_ =	sdelay $0x1  }
0x14a: {  	vm14 =	veq.s32 v14, v49  }
0x14b: {  	s20 =	sand.u32 $0x70, s20;
	s24 =	rddreg [dreg:$0x19];
	v14 =	vsel vm14, $0x3F800000, v15  }
0x14c: {  	s20 =	sor.u32 s20, s24;
	[tilespmem:s6+$0x2280] =	vst v14  }
0x14d: {  	v14 =	vld [tilespmem:s20+$0x2300];
	_ =	sdelay $0x1  }
0x14e: {  	v50 =	vbroadcast v3, $0xD;
	s1 =	rddreg [dreg:$0x17]  }
0x14f: {  	v51 =	vor.u32 s1, v1  }
0x150: {  	vm15 =	veq.s32 v51, v50  }
0x151: {  	s4 =	sand.u32 $0x70, s4;
	s9 =	rddreg [dreg:$0x18];
	v14 =	vsel vm15, $0x3F800000, v14  }
0x152: {  	[dreg:$0xb] =	wrdreg s0;
	s0 =	sor.u32 s4, s9;
	[tilespmem:s20+$0x2300] =	vst v14  }
0x153: {  	v14 =	vld [tilespmem:s0+$0x2380];
	_ =	sdelay $0x1  }
0x154: {  	v52 =	vbroadcast v3, $0xE;
	_ =	sdelay $0x1  }
0x155: {  	vm4 =	veq.s32 v13, v52;
	s11 =	rddreg [dreg:$0x16]  }
0x156: {  	s10 =	sand.u32 $0x70, s5;
	s4 =	sand.u32 $0xFFFFFC00, s11;
	v13 =	vsel vm4, $0x3F800000, v14  }
0x157: {  	s1 =	sor.u32 s10, s4;
	[tilespmem:s0+$0x2380] =	vst v13  }
0x158: {  	v13 =	vld [tilespmem:s1+$0x2400];
	_ =	sdelay $0x1  }
0x159: {  	v3 =	vbroadcast v3, $0xF;
	_ =	sdelay $0x1  }
0x15a: {  	s24 =	rddreg [dreg:$0x15];
	vm5 =	veq.s32 v12, v3  }
0x15b: {  	s5 =	sand.u32 $0xFFFFFC00, s24;
	s12 =	sand.u32 $0x70, s25;
	v3 =	vsel vm5, $0x3F800000, v13  }
0x15c: {  	s4 =	sor.u32 s12, s5;
	[tilespmem:s1+$0x2400] =	vst v3  }
0x15d: {  	v3 =	vld [tilespmem:s4+$0x4080];
	_ =	sdelay $0x1  }
0x15e: {  	v53 =	vbroadcast v2, $0x0;
	s25 =	rddreg [dreg:$0x13]  }
0x15f: {  	v54 =	vor.u32 s25, v1  }
0x160: {  	vm6 =	veq.s32 v54, v53  }
0x161: {  	s9 =	sand.u32 $0x70, s7;
	s10 =	rddreg [dreg:$0x14];
	v3 =	vsel vm6, $0x3F800000, v3  }
0x162: {  	s7 =	sor.u32 s9, s10;
	[tilespmem:s4+$0x4080] =	vst v3  }
0x163: {  	v3 =	vld [tilespmem:s7+$0x4100];
	_ =	sdelay $0x1  }
0x164: {  	v55 =	vbroadcast v2, $0x1;
	_ =	sdelay $0x1  }
0x165: {  	vm7 =	veq.s32 v11, v55  }
0x166: {  	s11 =	sand.u32 $0x70, s8;
	s12 =	rddreg [dreg:$0x12];
	v3 =	vsel vm7, $0x3F800000, v3  }
0x167: {  	s5 =	sor.u32 s11, s12;
	[tilespmem:s7+$0x4100] =	vst v3  }
0x168: {  	v3 =	vld [tilespmem:s5+$0x4180];
	_ =	sdelay $0x1  }
0x169: {  	v56 =	vbroadcast v2, $0x2;
	_ =	sdelay $0x1  }
0x16a: {  	vm8 =	veq.s32 v36, v56  }
0x16b: {  	s24 =	sand.u32 $0x70, s3;
	s25 =	rddreg [dreg:$0x11];
	v3 =	vsel vm8, $0x3F800000, v3  }
0x16c: {  	s8 =	sor.u32 s24, s25;
	[tilespmem:s5+$0x4180] =	vst v3  }
0x16d: {  	v3 =	vld [tilespmem:s8+$0x4200];
	_ =	sdelay $0x1  }
0x16e: {  	v57 =	vbroadcast v2, $0x3;
	s3 =	sand.u32 $0xFFFFFFF0, s3  }
0x16f: {  	v58 =	vor.u32 s3, v1  }
0x170: {  	vm9 =	veq.s32 v58, v57  }
0x171: {  	s10 =	sand.u32 $0x70, s31;
	s11 =	rddreg [dreg:$0x10];
	v3 =	vsel vm9, $0x3F800000, v3  }
0x172: {  	s3 =	sor.u32 s10, s11;
	[tilespmem:s8+$0x4200] =	vst v3  }
0x173: {  	v3 =	vld [tilespmem:s3+$0x4280];
	_ =	sdelay $0x1  }
0x174: {  	v59 =	vbroadcast v2, $0x4;
	_ =	sdelay $0x1  }
0x175: {  	vm10 =	veq.s32 v37, v59  }
0x176: {  	s24 =	rddreg [dreg:$0xf];
	s12 =	sand.u32 $0x70, s29;
	v3 =	vsel vm10, $0x3F800000, v3  }
0x177: {  	s9 =	sor.u32 s12, s24;
	[tilespmem:s3+$0x4280] =	vst v3  }
0x178: {  	v3 =	vld [tilespmem:s9+$0x4300];
	_ =	sdelay $0x1  }
0x179: {  	v60 =	vbroadcast v2, $0x5;
	_ =	sdelay $0x1  }
0x17a: {  	vm11 =	veq.s32 v38, v60  }
0x17b: {  	s25 =	sand.u32 $0x70, s28;
	s28 =	rddreg [dreg:$0xe];
	v3 =	vsel vm11, $0x3F800000, v3  }
0x17c: {  	s10 =	sor.u32 s25, s28;
	[tilespmem:s9+$0x4300] =	vst v3  }
0x17d: {  	v3 =	vld [tilespmem:s10+$0x4380];
	_ =	sdelay $0x1  }
0x17e: {  	v61 =	vbroadcast v2, $0x6;
	_ =	sdelay $0x1  }
0x17f: {  	vm12 =	veq.s32 v39, v61  }
0x180: {  	s12 =	sand.u32 $0x70, s23;
	s23 =	rddreg [dreg:$0xd];
	v3 =	vsel vm12, $0x3F800000, v3  }
0x181: {  	s11 =	sor.u32 s12, s23;
	[tilespmem:s10+$0x4380] =	vst v3  }
0x182: {  	v3 =	vld [tilespmem:s11+$0x4400];
	_ =	sdelay $0x1  }
0x183: {  	v62 =	vbroadcast v2, $0x7;
	_ =	sdelay $0x1  }
0x184: {  	vm13 =	veq.s32 v40, v62  }
0x185: {  	s24 =	sand.u32 $0x70, s21;
	s25 =	rddreg [dreg:$0xc];
	v3 =	vsel vm13, $0x3F800000, v3  }
0x186: {  	s12 =	sor.u32 s24, s25;
	[tilespmem:s11+$0x4400] =	vst v3  }
0x187: {  	v3 =	vld [tilespmem:s12+$0x6080];
	_ =	sdelay $0x1  }
0x188: {  	v63 =	vbroadcast v2, $0x8;
	_ =	sdelay $0x1  }
0x189: {  	vm14 =	veq.s32 v41, v63  }
0x18a: {  	s19 =	sand.u32 $0x70, s19;
	s28 =	rddreg [dreg:$0xb];
	v3 =	vsel vm14, $0x3F800000, v3  }
0x18b: {  	s19 =	sor.u32 s19, s28;
	[tilespmem:s12+$0x6080] =	vst v3  }
0x18c: {  	v3 =	vld [tilespmem:s19+$0x6100];
	_ =	sdelay $0x1  }
0x18d: {  	v2 =	vbroadcast v2, $0x9;
	_ =	sdelay $0x1  }
0x18e: {  	vm15 =	veq.s32 v43, v2  }
0x18f: {  	s31 =	rddreg [dreg:$0x5];
	v2 =	vsel vm15, $0x3F800000, v3  }
0x190: {  	s30 =	simm.s32 $0x1;
	s29 =	simm.s32 $0x0;
	s23 =	rddreg [dreg:$0x4];
	[tilespmem:s19+$0x6100] =	vst v2  }
0x191: {  	[hbm4b:s31+s29] =	stream.linear.scatter [tilespmem:s23], [sflag:$0x1], $0x8000, $0x38;
	[tilespmem:$0x8080] =	vst v63  }
0x192: {  	_ =	swait.ge [sflag:s30], $0x8000  }
0x193: {  	[sflag:s30] =	ssyncset.done $0x0  }
0x194: {  	s24 =	rddreg [dreg:$0x8];
	[sflag:s30] =	ssyncadd.s32 $0xFFFF8000  }
0x195: {  	s25 =	rddreg [dreg:$0x9];
	[tilespmem:s24+$0x80] =	vst v0  }
0x196: {  	s28 =	rddreg [dreg:$0xa];
	[tilespmem:s25+$0x100] =	vst v0  }
0x197: {  	[tilespmem:s28+$0x180] =	vst v0  }
0x198: {  	[tilespmem:s13+$0x200] =	vst v0  }
0x199: {  	[tilespmem:s14+$0x280] =	vst v0  }
0x19a: {  	[tilespmem:s15+$0x300] =	vst v0  }
0x19b: {  	[tilespmem:s16+$0x380] =	vst v0  }
0x19c: {  	[tilespmem:s17+$0x400] =	vst v0  }
0x19d: {  	[tilespmem:s18+$0x2080] =	vst v0  }
0x19e: {  	[tilespmem:s22+$0x2100] =	vst v0  }
0x19f: {  	[tilespmem:s26+$0x2180] =	vst v0  }
0x1a0: {  	[tilespmem:s2+$0x2200] =	vst v0  }
0x1a1: {  	[tilespmem:s6+$0x2280] =	vst v0  }
0x1a2: {  	[tilespmem:s20+$0x2300] =	vst v0  }
0x1a3: {  	[tilespmem:s0+$0x2380] =	vst v0  }
0x1a4: {  	[tilespmem:s1+$0x2400] =	vst v0  }
0x1a5: {  	[tilespmem:s4+$0x4080] =	vst v0  }
0x1a6: {  	[tilespmem:s7+$0x4100] =	vst v0  }
0x1a7: {  	[tilespmem:s5+$0x4180] =	vst v0  }
0x1a8: {  	[tilespmem:s8+$0x4200] =	vst v0  }
.Ltmp2:
0x1a9: {  	[tilespmem:s3+$0x4280] =	vst v0;
	(pc) =	sbr.rel @p0 .LBB2_6-.Ltmp2, $4  }
0x1aa: {  	[tilespmem:s9+$0x4300] =	vst v0  }
0x1ab: {  	s2 =	rddreg [dreg:$0x7];
	[tilespmem:s10+$0x4380] =	vst v0  }
0x1ac: {  	s0 =	rddreg [dreg:$0x6];
	[tilespmem:s11+$0x4400] =	vst v0  }
0x1ad: {  	s1 =	rddreg [dreg:$0x3];
	[tilespmem:s12+$0x6080] =	vst v0  }
0x1ae: {  	s0 =	sadd.s32 s2, s1;
	[tilespmem:s19+$0x6100] =	vst v0  }
0x1af: {  	[tilespmem:s29], [sflag:$0x1] =	stream.linear.gather [hbm4b:s0+s29], $0x20, $0x38;
	[tilespmem:$0x8080] =	vst v63  }
0x1b0: {  	_ =	swait.ge [sflag:s30], $0x20  }
0x1b1: {  	[sflag:s30] =	ssyncset.done $0x0  }
0x1b2: {  	[sflag:s30] =	ssyncadd.s32 $0xFFFFFFE0  }
0x1b3: {  	v3 =	vld [tilespmem:$0x0];
	_ =	sdelay $0x4  }
0x1b4: {  	(v2sf) =	vpush v3, $0x0;
	_ =	sdelay $0x6  }
0x1b5: {  	(v2sf) =	vpush v3, $0x1;
	_ =	sdelay $0x6  }
0x1b6: {  	(v2sf) =	vpush v3, $0x2  }
0x1b7: {  	s15 =	spop (v2sf)  }
0x1b8: {  	s16 =	sshll.u32 s15, $0x3  }
0x1b9: {  	s17 =	sand.u32 $0x70, s15;
	s1 =	sand.u32 $0xFFFFFC00, s16  }
0x1ba: {  	s8 =	sor.u32 s17, s1  }
0x1bb: {  	v4 =	vld [tilespmem:s8+$0x80];
	_ =	sdelay $0x1  }
0x1bc: {  	v2 =	vbroadcast v3, $0x0;
	(v2sf) =	vpush v3, $0x3;
	s0 =	sand.u32 $0xFFFFFFF0, s15  }
0x1bd: {  	s18 =	spop (v2sf);
	v5 =	vor.u32 s0, v1  }
0x1be: {  	s19 =	sshll.u32 s18, $0x3;
	vm0 =	veq.s32 v5, v2  }
0x1bf: {  	s20 =	sand.u32 $0x70, s18;
	s0 =	sand.u32 $0xFFFFFC00, s19;
	v4 =	vsel vm0, $0x3F800000, v4  }
0x1c0: {  	v2 =	vld [tilespmem:$0x10];
	s9 =	sor.u32 s20, s0;
	[tilespmem:s8+$0x80] =	vst v4  }
0x1c1: {  	v4 =	vld [tilespmem:s9+$0x100];
	_ =	sdelay $0x1  }
0x1c2: {  	v17 =	vbroadcast v3, $0x1;
	(v2sf) =	vpush v3, $0x4;
	s21 =	sand.u32 $0xFFFFFFF0, s18  }
0x1c3: {  	s22 =	spop (v2sf);
	v6 =	vor.u32 s21, v1  }
0x1c4: {  	s23 =	sshll.u32 s22, $0x3;
	vm15 =	veq.s32 v6, v17  }
0x1c5: {  	s24 =	sand.u32 $0x70, s22;
	s1 =	sand.u32 $0xFFFFFC00, s23;
	v4 =	vsel vm15, $0x3F800000, v4  }
0x1c6: {  	s10 =	sor.u32 s24, s1;
	[tilespmem:s9+$0x100] =	vst v4  }
0x1c7: {  	v4 =	vld [tilespmem:s10+$0x180];
	_ =	sdelay $0x1  }
0x1c8: {  	v18 =	vbroadcast v3, $0x2;
	(v2sf) =	vpush v3, $0x5;
	s0 =	sand.u32 $0xFFFFFFF0, s22  }
0x1c9: {  	v19 =	vor.u32 s0, v1;
	s25 =	spop (v2sf)  }
0x1ca: {  	vm4 =	veq.s32 v19, v18;
	s26 =	sshll.u32 s25, $0x3  }
0x1cb: {  	s28 =	sand.u32 $0x70, s25;
	s0 =	sand.u32 $0xFFFFFC00, s26;
	v4 =	vsel vm4, $0x3F800000, v4  }
0x1cc: {  	s11 =	sor.u32 s28, s0;
	[tilespmem:s10+$0x180] =	vst v4  }
0x1cd: {  	v4 =	vld [tilespmem:s11+$0x200];
	_ =	sdelay $0x1  }
0x1ce: {  	v20 =	vbroadcast v3, $0x3;
	(v2sf) =	vpush v3, $0x6;
	s3 =	sand.u32 $0xFFFFFFF0, s25  }
0x1cf: {  	s4 =	spop (v2sf);
	v21 =	vor.u32 s3, v1  }
0x1d0: {  	s5 =	sshll.u32 s4, $0x3;
	vm5 =	veq.s32 v21, v20  }
0x1d1: {  	s6 =	sand.u32 $0x70, s4;
	s1 =	sand.u32 $0xFFFFFC00, s5;
	v4 =	vsel vm5, $0x3F800000, v4  }
0x1d2: {  	s12 =	sor.u32 s6, s1;
	[tilespmem:s11+$0x200] =	vst v4  }
0x1d3: {  	v4 =	vld [tilespmem:s12+$0x280];
	_ =	sdelay $0x1  }
0x1d4: {  	v22 =	vbroadcast v3, $0x4;
	(v2sf) =	vpush v3, $0x7;
	s0 =	sand.u32 $0xFFFFFFF0, s4  }
0x1d5: {  	s7 =	spop (v2sf);
	v23 =	vor.u32 s0, v1  }
0x1d6: {  	s14 =	sshll.u32 s7, $0x3;
	vm6 =	veq.s32 v23, v22  }
0x1d7: {  	s15 =	sand.u32 $0x70, s7;
	s0 =	sand.u32 $0xFFFFFC00, s14;
	v4 =	vsel vm6, $0x3F800000, v4  }
0x1d8: {  	s13 =	sor.u32 s15, s0;
	[tilespmem:s12+$0x280] =	vst v4  }
0x1d9: {  	v4 =	vld [tilespmem:s13+$0x300];
	_ =	sdelay $0x1  }
0x1da: {  	v24 =	vbroadcast v3, $0x5;
	(v2sf) =	vpush v3, $0x8;
	s16 =	sand.u32 $0xFFFFFFF0, s7  }
0x1db: {  	v25 =	vor.u32 s16, v1;
	s17 =	spop (v2sf)  }
0x1dc: {  	vm7 =	veq.s32 v25, v24;
	s18 =	sshll.u32 s17, $0x3  }
0x1dd: {  	s19 =	sand.u32 $0x70, s17;
	s1 =	sand.u32 $0xFFFFFC00, s18;
	v4 =	vsel vm7, $0x3F800000, v4  }
0x1de: {  	s14 =	sor.u32 s19, s1;
	[tilespmem:s13+$0x300] =	vst v4  }
0x1df: {  	v4 =	vld [tilespmem:s14+$0x380];
	_ =	sdelay $0x1  }
0x1e0: {  	v26 =	vbroadcast v3, $0x6;
	(v2sf) =	vpush v3, $0x9;
	s0 =	sand.u32 $0xFFFFFFF0, s17  }
0x1e1: {  	s20 =	spop (v2sf);
	v27 =	vor.u32 s0, v1  }
0x1e2: {  	s21 =	sshll.u32 s20, $0x3;
	vm8 =	veq.s32 v27, v26  }
0x1e3: {  	s22 =	sand.u32 $0x70, s20;
	s0 =	sand.u32 $0xFFFFFC00, s21;
	v4 =	vsel vm8, $0x3F800000, v4  }
0x1e4: {  	s15 =	sor.u32 s22, s0;
	[tilespmem:s14+$0x380] =	vst v4  }
0x1e5: {  	v4 =	vld [tilespmem:s15+$0x400];
	_ =	sdelay $0x1  }
0x1e6: {  	v28 =	vbroadcast v3, $0x7;
	(v2sf) =	vpush v3, $0xA;
	s23 =	sand.u32 $0xFFFFFFF0, s20  }
0x1e7: {  	s24 =	spop (v2sf);
	v29 =	vor.u32 s23, v1  }
0x1e8: {  	s25 =	sshll.u32 s24, $0x3;
	vm9 =	veq.s32 v29, v28  }
0x1e9: {  	s26 =	sand.u32 $0x70, s24;
	s0 =	sand.u32 $0xFFFFFC00, s25;
	v4 =	vsel vm9, $0x3F800000, v4  }
0x1ea: {  	s0 =	sor.u32 s26, s0;
	[tilespmem:s15+$0x400] =	vst v4  }
0x1eb: {  	v4 =	vld [tilespmem:s0+$0x2080];
	_ =	sdelay $0x1  }
0x1ec: {  	v30 =	vbroadcast v3, $0x8;
	(v2sf) =	vpush v3, $0xB;
	s1 =	sand.u32 $0xFFFFFFF0, s24  }
0x1ed: {  	v31 =	vor.u32 s1, v1;
	s28 =	spop (v2sf)  }
0x1ee: {  	vm10 =	veq.s32 v31, v30;
	s4 =	sshll.u32 s28, $0x3  }
0x1ef: {  	s3 =	sand.u32 $0x70, s28;
	s1 =	sand.u32 $0xFFFFFC00, s4;
	v4 =	vsel vm10, $0x3F800000, v4  }
0x1f0: {  	s1 =	sor.u32 s3, s1;
	[tilespmem:s0+$0x2080] =	vst v4  }
0x1f1: {  	v4 =	vld [tilespmem:s1+$0x2100];
	_ =	sdelay $0x1  }
0x1f2: {  	v32 =	vbroadcast v3, $0x9;
	(v2sf) =	vpush v3, $0xC;
	s2 =	sand.u32 $0xFFFFFFF0, s28  }
0x1f3: {  	s5 =	spop (v2sf);
	v33 =	vor.u32 s2, v1  }
0x1f4: {  	s6 =	sshll.u32 s5, $0x3;
	vm11 =	veq.s32 v33, v32  }
0x1f5: {  	s4 =	sand.u32 $0x70, s5;
	s2 =	sand.u32 $0xFFFFFC00, s6;
	v4 =	vsel vm11, $0x3F800000, v4  }
0x1f6: {  	s2 =	sor.u32 s4, s2;
	[tilespmem:s1+$0x2100] =	vst v4  }
0x1f7: {  	v4 =	vld [tilespmem:s2+$0x2180];
	_ =	sdelay $0x1  }
0x1f8: {  	v34 =	vbroadcast v3, $0xA;
	(v2sf) =	vpush v3, $0xD;
	s3 =	sand.u32 $0xFFFFFFF0, s5  }
0x1f9: {  	s7 =	spop (v2sf);
	v35 =	vor.u32 s3, v1  }
0x1fa: {  	s16 =	sshll.u32 s7, $0x3;
	vm12 =	veq.s32 v35, v34  }
0x1fb: {  	s5 =	sand.u32 $0x70, s7;
	s3 =	sand.u32 $0xFFFFFC00, s16;
	v4 =	vsel vm12, $0x3F800000, v4  }
0x1fc: {  	s3 =	sor.u32 s5, s3;
	[tilespmem:s2+$0x2180] =	vst v4  }
0x1fd: {  	v4 =	vld [tilespmem:s3+$0x2200];
	_ =	sdelay $0x1  }
0x1fe: {  	v36 =	vbroadcast v3, $0xB;
	(v2sf) =	vpush v3, $0xE;
	s4 =	sand.u32 $0xFFFFFFF0, s7  }
0x1ff: {  	v37 =	vor.u32 s4, v1;
	s17 =	spop (v2sf)  }
0x200: {  	vm13 =	veq.s32 v37, v36;
	s18 =	sshll.u32 s17, $0x3  }
0x201: {  	s6 =	sand.u32 $0x70, s17;
	s4 =	sand.u32 $0xFFFFFC00, s18;
	v4 =	vsel vm13, $0x3F800000, v4  }
0x202: {  	s4 =	sor.u32 s6, s4;
	[tilespmem:s3+$0x2200] =	vst v4  }
0x203: {  	v4 =	vld [tilespmem:s4+$0x2280];
	_ =	sdelay $0x1  }
0x204: {  	v38 =	vbroadcast v3, $0xC;
	(v2sf) =	vpush v3, $0xF;
	s5 =	sand.u32 $0xFFFFFFF0, s17  }
0x205: {  	s19 =	spop (v2sf);
	v39 =	vor.u32 s5, v1  }
0x206: {  	s20 =	sshll.u32 s19, $0x3;
	vm14 =	veq.s32 v39, v38  }
0x207: {  	s7 =	sand.u32 $0x70, s19;
	s5 =	sand.u32 $0xFFFFFC00, s20;
	v4 =	vsel vm14, $0x3F800000, v4  }
0x208: {  	s5 =	sor.u32 s7, s5;
	[tilespmem:s4+$0x2280] =	vst v4  }
0x209: {  	v4 =	vld [tilespmem:s5+$0x2300];
	_ =	sdelay $0x1  }
0x20a: {  	v40 =	vbroadcast v3, $0xD;
	(v2sf) =	vpush v2, $0x0;
	s6 =	sand.u32 $0xFFFFFFF0, s19  }
0x20b: {  	s21 =	spop (v2sf);
	v41 =	vor.u32 s6, v1  }
0x20c: {  	s22 =	sshll.u32 s21, $0x3;
	vm15 =	veq.s32 v41, v40  }
0x20d: {  	s16 =	sand.u32 $0x70, s21;
	s6 =	sand.u32 $0xFFFFFC00, s22;
	v4 =	vsel vm15, $0x3F800000, v4  }
0x20e: {  	s6 =	sor.u32 s16, s6;
	[tilespmem:s5+$0x2300] =	vst v4  }
0x20f: {  	v4 =	vld [tilespmem:s6+$0x2380];
	_ =	sdelay $0x1  }
0x210: {  	v42 =	vbroadcast v3, $0xE;
	(v2sf) =	vpush v2, $0x1;
	s7 =	sand.u32 $0xFFFFFFF0, s21  }
0x211: {  	v43 =	vor.u32 s7, v1;
	s23 =	spop (v2sf)  }
0x212: {  	vm4 =	veq.s32 v43, v42;
	s24 =	sshll.u32 s23, $0x3  }
0x213: {  	s17 =	sand.u32 $0x70, s23;
	s7 =	sand.u32 $0xFFFFFC00, s24;
	v4 =	vsel vm4, $0x3F800000, v4  }
0x214: {  	s7 =	sor.u32 s17, s7;
	[tilespmem:s6+$0x2380] =	vst v4  }
0x215: {  	v4 =	vld [tilespmem:s7+$0x2400];
	_ =	sdelay $0x1  }
0x216: {  	v3 =	vbroadcast v3, $0xF;
	(v2sf) =	vpush v2, $0x2;
	s16 =	sand.u32 $0xFFFFFFF0, s23  }
0x217: {  	s25 =	spop (v2sf);
	v44 =	vor.u32 s16, v1  }
0x218: {  	s26 =	sshll.u32 s25, $0x3;
	vm5 =	veq.s32 v44, v3  }
0x219: {  	s18 =	sand.u32 $0x70, s25;
	s16 =	sand.u32 $0xFFFFFC00, s26;
	v3 =	vsel vm5, $0x3F800000, v4  }
0x21a: {  	s16 =	sor.u32 s18, s16;
	[tilespmem:s7+$0x2400] =	vst v3  }
0x21b: {  	v3 =	vld [tilespmem:s16+$0x4080];
	_ =	sdelay $0x1  }
0x21c: {  	v45 =	vbroadcast v2, $0x0;
	(v2sf) =	vpush v2, $0x3;
	s17 =	sand.u32 $0xFFFFFFF0, s25  }
0x21d: {  	s28 =	spop (v2sf);
	v46 =	vor.u32 s17, v1  }
0x21e: {  	s19 =	sshll.u32 s28, $0x3;
	vm6 =	veq.s32 v46, v45  }
0x21f: {  	s20 =	sand.u32 $0x70, s28;
	s17 =	sand.u32 $0xFFFFFC00, s19;
	v3 =	vsel vm6, $0x3F800000, v3  }
0x220: {  	s17 =	sor.u32 s20, s17;
	[tilespmem:s16+$0x4080] =	vst v3  }
0x221: {  	v3 =	vld [tilespmem:s17+$0x4100];
	_ =	sdelay $0x1  }
0x222: {  	v47 =	vbroadcast v2, $0x1;
	(v2sf) =	vpush v2, $0x4;
	s18 =	sand.u32 $0xFFFFFFF0, s28  }
0x223: {  	v48 =	vor.u32 s18, v1;
	s21 =	spop (v2sf)  }
0x224: {  	vm7 =	veq.s32 v48, v47;
	s22 =	sshll.u32 s21, $0x3  }
0x225: {  	s20 =	sand.u32 $0x70, s21;
	s18 =	sand.u32 $0xFFFFFC00, s22;
	v3 =	vsel vm7, $0x3F800000, v3  }
0x226: {  	s18 =	sor.u32 s20, s18;
	[tilespmem:s17+$0x4100] =	vst v3  }
0x227: {  	v3 =	vld [tilespmem:s18+$0x4180];
	_ =	sdelay $0x1  }
0x228: {  	v49 =	vbroadcast v2, $0x2;
	(v2sf) =	vpush v2, $0x5;
	s19 =	sand.u32 $0xFFFFFFF0, s21  }
0x229: {  	s23 =	spop (v2sf);
	v50 =	vor.u32 s19, v1  }
0x22a: {  	s24 =	sshll.u32 s23, $0x3;
	vm8 =	veq.s32 v50, v49  }
0x22b: {  	s21 =	sand.u32 $0x70, s23;
	s19 =	sand.u32 $0xFFFFFC00, s24;
	v3 =	vsel vm8, $0x3F800000, v3  }
0x22c: {  	s19 =	sor.u32 s21, s19;
	[tilespmem:s18+$0x4180] =	vst v3  }
0x22d: {  	v3 =	vld [tilespmem:s19+$0x4200];
	_ =	sdelay $0x1  }
0x22e: {  	v51 =	vbroadcast v2, $0x3;
	(v2sf) =	vpush v2, $0x6;
	s20 =	sand.u32 $0xFFFFFFF0, s23  }
0x22f: {  	s25 =	spop (v2sf);
	v52 =	vor.u32 s20, v1  }
0x230: {  	s26 =	sshll.u32 s25, $0x3;
	vm9 =	veq.s32 v52, v51  }
0x231: {  	s22 =	sand.u32 $0x70, s25;
	s20 =	sand.u32 $0xFFFFFC00, s26;
	v3 =	vsel vm9, $0x3F800000, v3  }
0x232: {  	s20 =	sor.u32 s22, s20;
	[tilespmem:s19+$0x4200] =	vst v3  }
0x233: {  	v3 =	vld [tilespmem:s20+$0x4280];
	_ =	sdelay $0x1  }
0x234: {  	v53 =	vbroadcast v2, $0x4;
	(v2sf) =	vpush v2, $0x7;
	s21 =	sand.u32 $0xFFFFFFF0, s25  }
0x235: {  	v54 =	vor.u32 s21, v1;
	s28 =	spop (v2sf)  }
0x236: {  	vm10 =	veq.s32 v54, v53;
	s24 =	sshll.u32 s28, $0x3  }
0x237: {  	s23 =	sand.u32 $0x70, s28;
	s21 =	sand.u32 $0xFFFFFC00, s24;
	v3 =	vsel vm10, $0x3F800000, v3  }
0x238: {  	s21 =	sor.u32 s23, s21;
	[tilespmem:s20+$0x4280] =	vst v3  }
0x239: {  	v3 =	vld [tilespmem:s21+$0x4300];
	_ =	sdelay $0x1  }
0x23a: {  	v55 =	vbroadcast v2, $0x5;
	(v2sf) =	vpush v2, $0x8;
	s22 =	sand.u32 $0xFFFFFFF0, s28  }
0x23b: {  	s25 =	spop (v2sf);
	v56 =	vor.u32 s22, v1  }
0x23c: {  	s26 =	sshll.u32 s25, $0x3;
	vm11 =	veq.s32 v56, v55  }
0x23d: {  	s24 =	sand.u32 $0x70, s25;
	s22 =	sand.u32 $0xFFFFFC00, s26;
	v3 =	vsel vm11, $0x3F800000, v3  }
0x23e: {  	s22 =	sor.u32 s24, s22;
	[tilespmem:s21+$0x4300] =	vst v3  }
0x23f: {  	v3 =	vld [tilespmem:s22+$0x4380];
	_ =	sdelay $0x1  }
0x240: {  	v57 =	vbroadcast v2, $0x6;
	(v2sf) =	vpush v2, $0x9;
	s23 =	sand.u32 $0xFFFFFFF0, s25  }
0x241: {  	s28 =	spop (v2sf);
	v58 =	vor.u32 s23, v1  }
0x242: {  	s26 =	sshll.u32 s28, $0x3;
	vm12 =	veq.s32 v58, v57  }
0x243: {  	s25 =	sand.u32 $0x70, s28;
	s23 =	sand.u32 $0xFFFFFC00, s26;
	v3 =	vsel vm12, $0x3F800000, v3  }
0x244: {  	s23 =	sor.u32 s25, s23;
	[tilespmem:s22+$0x4380] =	vst v3  }
0x245: {  	v3 =	vld [tilespmem:s23+$0x4400];
	_ =	sdelay $0x1  }
0x246: {  	v59 =	vbroadcast v2, $0x7;
	s24 =	sand.u32 $0xFFFFFFF0, s28  }
0x247: {  	v60 =	vor.u32 s24, v1;
	s28 =	spop (v2sf)  }
0x248: {  	vm13 =	veq.s32 v60, v59;
	s26 =	sshll.u32 s28, $0x3  }
0x249: {  	s25 =	sand.u32 $0xFFFFFC00, s26;
	s26 =	sand.u32 $0x70, s28;
	v3 =	vsel vm13, $0x3F800000, v3  }
0x24a: {  	s25 =	sor.u32 s26, s25;
	[tilespmem:s23+$0x4400] =	vst v3  }
0x24b: {  	v3 =	vld [tilespmem:s25+$0x6080];
	_ =	sdelay $0x1  }
0x24c: {  	v61 =	vbroadcast v2, $0x8;
	s24 =	sand.u32 $0xFFFFFFF0, s28  }
0x24d: {  	v62 =	vor.u32 s24, v1;
	s24 =	spop (v2sf)  }
0x24e: {  	vm14 =	veq.s32 v62, v61;
	s28 =	sshll.u32 s24, $0x3  }
0x24f: {  	s26 =	sand.u32 $0xFFFFFC00, s28;
	s28 =	sand.u32 $0x70, s24;
	v3 =	vsel vm14, $0x3F800000, v3  }
0x250: {  	s26 =	sor.u32 s28, s26;
	[tilespmem:s25+$0x6080] =	vst v3  }
0x251: {  	v3 =	vld [tilespmem:s26+$0x6100];
	_ =	sdelay $0x1  }
0x252: {  	v2 =	vbroadcast v2, $0x9;
	s24 =	sand.u32 $0xFFFFFFF0, s24  }
0x253: {  	v63 =	vor.u32 s24, v1  }
0x254: {  	vm15 =	veq.s32 v63, v2  }
0x255: {  	v2 =	vsel vm15, $0x3F800000, v3  }
0x256: {  	s31 =	sadd.s32 $0x1000, s31;
	s24 =	rddreg [dreg:$0x4];
	[tilespmem:s26+$0x6100] =	vst v2  }
0x257: {  	[hbm4b:s31+s29] =	stream.linear.scatter [tilespmem:s24], [sflag:$0x1], $0x8000, $0x38;
	[tilespmem:$0x8080] =	vst v63  }
0x258: {  	_ =	swait.ge [sflag:s30], $0x8000  }
0x259: {  	[sflag:s30] =	ssyncset.done $0x0  }
0x25a: {  	[sflag:s30] =	ssyncadd.s32 $0xFFFF8000  }
0x25b: {  	[tilespmem:s8+$0x80] =	vst v0  }
0x25c: {  	[tilespmem:s9+$0x100] =	vst v0  }
0x25d: {  	[tilespmem:s10+$0x180] =	vst v0  }
0x25e: {  	[tilespmem:s11+$0x200] =	vst v0  }
0x25f: {  	[tilespmem:s12+$0x280] =	vst v0  }
0x260: {  	[tilespmem:s13+$0x300] =	vst v0  }
0x261: {  	[tilespmem:s14+$0x380] =	vst v0  }
0x262: {  	[tilespmem:s15+$0x400] =	vst v0  }
0x263: {  	[tilespmem:s0+$0x2080] =	vst v0  }
0x264: {  	[tilespmem:s1+$0x2100] =	vst v0  }
0x265: {  	[tilespmem:s2+$0x2180] =	vst v0  }
0x266: {  	[tilespmem:s3+$0x2200] =	vst v0  }
0x267: {  	[tilespmem:s4+$0x2280] =	vst v0  }
0x268: {  	[tilespmem:s5+$0x2300] =	vst v0  }
0x269: {  	[tilespmem:s6+$0x2380] =	vst v0  }
0x26a: {  	[tilespmem:s7+$0x2400] =	vst v0  }
0x26b: {  	[tilespmem:s16+$0x4080] =	vst v0  }
0x26c: {  	[tilespmem:s17+$0x4100] =	vst v0  }
0x26d: {  	s28 =	rddreg [dreg:$0x1d];
	[tilespmem:s18+$0x4180] =	vst v0  }
0x26e: {  	s31 =	rddreg [dreg:$0x1b];
	s1 =	sadd.s32 $0x1, s28;
	[tilespmem:s19+$0x4200] =	vst v0  }
0x26f: {  	p0 =	sne.s32 s1, s31;
	[tilespmem:s20+$0x4280] =	vst v0  }
.Ltmp3:
0x270: {  	[tilespmem:s21+$0x4300] =	vst v0;
	(pc) =	sbr.rel @p0 .LBB2_1-.Ltmp3, $4  }
0x271: {  	[tilespmem:s22+$0x4380] =	vst v0  }
0x272: {  	[tilespmem:s23+$0x4400] =	vst v0  }
0x273: {  	[tilespmem:s25+$0x6080] =	vst v0  }
0x274: {  	[tilespmem:s26+$0x6100] =	vst v0  }
0x275: {  	_ =	sfence.sel $0x180000  }
0x276: {  	[bflag:$0x0] =	sbarrier.arrive $0xFFFF  }
0x277: {  	_ =	strace $0x90000047  }
0x278: {  	s0 =	stileid.u32;
	[bflag:$0x2] =	sbarrier.arrive $0xFFFF  }
0x279: {  	p0 =	sne.s32 s0, $0x0;
	s0 =	rddreg [dreg:$0x2]  }
0x27a: {  	s0 =	sadd.s32 @!p0 $0x100000, s0  }
0x27b: {  	[sflag:s0] =	ssyncadd.tile.s32 @!p0 $0x1;
	_ =	shalt  }
.Lfunc_end2:
_tile_overlayer_lowered:
.L_overlay_start_2:
0x27c: {  	(tag) =	ssettag $0x2  }
0x27d: {  	s0 =	rddreg [dreg:$0x0];
	s2 =	stileid.u32  }
0x27e: {  	s1 =	rddreg [dreg:$0x1];
	p0 =	sne.s32 s2, $0x0  }
0x27f: {  	s3 =	rddreg [dreg:$0x2];
	[bflag:$0x3] =	sbarrier.arrive $0xFFFF;
	s2 =	simm.s32 @!p0 $0x1C01  }
0x280: {  	[timem:s3], [sflag:s2] =	dma.local @!p0 [hbm:s0], s1  }
0x281: {  	s0 =	simm.s32 @!p0 $0x1  }
0x282: {  	_ =	swait.ge @!p0 [sflag:s0], s1  }
0x283: {  	s1 =	ssub.s32 @!p0 $0x0, s1;
	[sflag:s0] =	ssyncset.done @!p0 $0x0  }
0x284: {  	[sflag:s0] =	ssyncadd.s32 @!p0 s1  }
0x285: {  	[bflag:$0x3] =	sbarrier.arrive $0xFFFF  }
0x286: {  	_ =	shalt  }

</sc_bundles>
